<compile_context>
chip_gen: v7x
topology: tpu7x:2x2x1
jax: 0.10.2.dev20260603
libtpu: 0.0.44.dev20260713+nightly
codegen_flags: <defaults>
</compile_context>

<pallas_src>
import functools

import jax
import jax.numpy as jnp
from jax import lax
from jax.experimental import pallas as pl
from jax.experimental.pallas import tpu as pltpu
from jax.experimental.pallas import tpu_sc as plsc

D_MODEL = 128
NC, NS = 2, 16
NW = NC * NS
CHUNK = 128
NBUF = 4


def _emb_body(idx_hbm, table_hbm, out_hbm, idx_v, rows, gsem, ssem):
    wid = lax.axis_index("s") * NC + lax.axis_index("c")
    n_chunks = idx_hbm.shape[1]
    pltpu.sync_copy(idx_hbm.at[wid], idx_v)

    def gather(j, b):
        return pltpu.make_async_copy(
            table_hbm.at[idx_v.at[j]], rows.at[b], gsem.at[b])

    def store(j, b):
        return pltpu.make_async_copy(
            rows.at[b], out_hbm.at[wid, j], ssem.at[b])

    for b in range(NBUF):
        gather(b, b).start()

    def group(g, carry):
        for b in range(NBUF):
            j = g * NBUF + b
            gather(j, b).wait()
            store(j, b).start()
            jn = j + NBUF - 1
            bn = (b - 1) % NBUF

            @pl.when(jnp.logical_and(j >= 1, jn < n_chunks))
            def _():
                store(j - 1, bn).wait()
                gather(jn, bn).start()

        return carry

    lax.fori_loop(0, n_chunks // NBUF, group, 0, unroll=False)
    for b in range(NBUF):
        store(n_chunks - NBUF + b, b).wait()


@jax.jit
def kernel(x, table):
    B, F = x.shape
    n_total = B * F
    assert n_total % (NW * CHUNK * NBUF) == 0
    n_chunks = n_total // (NW * CHUNK)
    idx = x.astype(jnp.int32).reshape(NW, n_chunks, CHUNK)

    mesh = plsc.VectorSubcoreMesh(core_axis_name="c", subcore_axis_name="s")
    run = pl.kernel(
        _emb_body,
        out_type=jax.ShapeDtypeStruct((NW, n_chunks, CHUNK, D_MODEL), jnp.float32),
        mesh=mesh,
        scratch_types=[
            pltpu.VMEM((n_chunks, CHUNK), jnp.int32),
            pltpu.VMEM((NBUF, CHUNK, D_MODEL), jnp.float32),
            pltpu.SemaphoreType.DMA((NBUF,)),
            pltpu.SemaphoreType.DMA((NBUF,)),
        ],
    )
    out = run(idx, table)
    return out.reshape(B, F, D_MODEL)

# --- scband reference (transcript-rebuilt; emitter-appended) ---
"""Pipeline reference for scband-variable-embedding-25366076850836 (READ-ONLY COPY).

The authoritative reference and input builder live on the scoring server;
editing this copy changes nothing except your own understanding.
"""

import jax, jax.numpy as jnp
import numpy as np

N_VAR = 1000
D_MODEL = 128
B = 4096
F = 100

def setup_inputs(seed: int = 0) -> dict:
    key = jax.random.key(seed)
    k_idx, k_tab = jax.random.split(key)
    x = jax.random.randint(k_idx, (B, F), 0, N_VAR, dtype=jnp.int64 if jax.config.jax_enable_x64 else jnp.int32)
    table = jax.random.normal(k_tab, (N_VAR, D_MODEL), dtype=jnp.float32)
    return {"x": x, "table": table}

def reference(x, table):
    # nn.Embedding(n_var, d_model)(x.long()) -> gather rows of table
    return jnp.take(table, x.astype(jnp.int32), axis=0)

if __name__ == "__main__":
    import jax
    _d = setup_inputs()
    print(jax.jit(kernel)(*tuple(_d.values())))

</pallas_src>

<mosaic_0001>
#map = affine_map<(d0, d1) -> (0, 0, 0)>
#map1 = affine_map<(d0, d1) -> (0, 0)>
#map2 = affine_map<(d0, d1) -> (0, 0, 0, 0)>
module attributes {stable_mosaic.version = 14 : i64} {
  func.func @_emb_body(%arg0: i32, %arg1: i32, %arg2: memref<32x100x128xi32, #tpu.memory_space<hbm>>, %arg3: memref<1000x128xf32, #tpu.memory_space<hbm>>, %arg4: memref<32x100x128x128xf32, #tpu.memory_space<hbm>>, %arg5: memref<100x128xi32, #tpu.memory_space<vmem>>, %arg6: memref<4x128x128xf32, #tpu.memory_space<vmem>>, %arg7: memref<4x!tpu.dma_semaphore, #tpu.memory_space<semaphore_mem>>, %arg8: memref<4x!tpu.dma_semaphore, #tpu.memory_space<semaphore_mem>>) attributes {dimension_semantics = [#tpu.dimension_semantics<core_parallel>, #tpu.dimension_semantics<subcore_parallel>], iteration_bounds = array<i64: 2, 16>, scalar_prefetch = 0 : i64, scratch_operands = 4 : i64, tpu.core_type = #tpu.core_type<sc_vector_subcore>, window_params = [{transform_indices = #map}, {transform_indices = #map1}, {transform_indices = #map2}]} {
    %mul3A = arith.constant 2 : i32
    %mul3A_0 = arith.muli %arg1, %mul3A : i32
    %add3A = arith.addi %mul3A_0, %arg0 : i32
    "tpu.region"() ({
      %run_scoped3A = tpu.sem_alloc : memref<!tpu.dma_semaphore, #tpu.memory_space<semaphore_mem>>
      %dma_start3A_148 = arith.constant 0 : i32
      %dma_start3A_149 = arith.constant 0 : i32
      %dma_start3A_150 = tpu.memref_slice %arg2[%add3A, %dma_start3A_148, %dma_start3A_149] : memref<32x100x128xi32, #tpu.memory_space<hbm>> -> memref<1x100x128xi32, #tpu.memory_space<hbm>>
      %dma_start3A_151 = tpu.memref_squeeze %dma_start3A_150 : memref<1x100x128xi32, #tpu.memory_space<hbm>> -> memref<100x128xi32, #tpu.memory_space<hbm>>
      %dma_start3A_152 = arith.constant 0 : i32
      %dma_start3A_153 = arith.constant 0 : i32
      %dma_start3A_154 = tpu.memref_slice %arg2[%add3A, %dma_start3A_152, %dma_start3A_153] : memref<32x100x128xi32, #tpu.memory_space<hbm>> -> memref<1x100x128xi32, #tpu.memory_space<hbm>>
      %dma_start3A_155 = tpu.memref_squeeze %dma_start3A_154 : memref<1x100x128xi32, #tpu.memory_space<hbm>> -> memref<100x128xi32, #tpu.memory_space<hbm>>
      tpu.enqueue_dma source(%dma_start3A_155 : memref<100x128xi32, #tpu.memory_space<hbm>>) target(%arg5 : memref<100x128xi32, #tpu.memory_space<vmem>>) target_semaphore(%run_scoped3A : memref<!tpu.dma_semaphore, #tpu.memory_space<semaphore_mem>>)
      %dma_wait3A_156 = arith.constant 0 : i32
      %dma_wait3A_157 = arith.constant 0 : i32
      %dma_wait3A_158 = tpu.memref_slice %arg2[%add3A, %dma_wait3A_156, %dma_wait3A_157] : memref<32x100x128xi32, #tpu.memory_space<hbm>> -> memref<1x100x128xi32, #tpu.memory_space<hbm>>
      %dma_wait3A_159 = tpu.memref_squeeze %dma_wait3A_158 : memref<1x100x128xi32, #tpu.memory_space<hbm>> -> memref<100x128xi32, #tpu.memory_space<hbm>>
      %dma_wait3A_160 = arith.constant 0 : i32
      %dma_wait3A_161 = arith.constant 0 : i32
      %dma_wait3A_162 = tpu.memref_slice %arg2[%add3A, %dma_wait3A_160, %dma_wait3A_161] : memref<32x100x128xi32, #tpu.memory_space<hbm>> -> memref<1x100x128xi32, #tpu.memory_space<hbm>>
      %dma_wait3A_163 = tpu.memref_squeeze %dma_wait3A_162 : memref<1x100x128xi32, #tpu.memory_space<hbm>> -> memref<100x128xi32, #tpu.memory_space<hbm>>
      tpu.wait_dma2 semaphore(%run_scoped3A : memref<!tpu.dma_semaphore, #tpu.memory_space<semaphore_mem>>) src(%dma_wait3A_163 : memref<100x128xi32, #tpu.memory_space<hbm>>) dst(%arg5 : memref<100x128xi32, #tpu.memory_space<vmem>>)
      tpu.yield
    }) : () -> ()
    %dma_start3A = arith.constant 0 : i32
    %dma_start3A_1 = arith.constant 0 : i32
    %dma_start3A_2 = arith.constant 0 : i32
    %dma_start3A_3 = arith.constant 0 : i32
    %dma_start3A_4 = arith.constant 0 : i32
    %dma_start3A_5 = tpu.memref_slice %arg6[%dma_start3A_1, %dma_start3A_3, %dma_start3A_4] : memref<4x128x128xf32, #tpu.memory_space<vmem>> -> memref<1x128x128xf32, #tpu.memory_space<vmem>>
    %dma_start3A_6 = tpu.memref_squeeze %dma_start3A_5 : memref<1x128x128xf32, #tpu.memory_space<vmem>> -> memref<128x128xf32, #tpu.memory_space<vmem>>
    %dma_start3A_7 = arith.constant 0 : i32
    %dma_start3A_8 = tpu.memref_slice %arg5[%dma_start3A, %dma_start3A_7] : memref<100x128xi32, #tpu.memory_space<vmem>> -> memref<1x128xi32, #tpu.memory_space<vmem>>
    %dma_start3A_9 = tpu.memref_squeeze %dma_start3A_8 : memref<1x128xi32, #tpu.memory_space<vmem>> -> memref<128xi32, #tpu.memory_space<vmem>>
    %dma_start3A_10 = arith.constant 0 : i32
    %dma_start3A_11 = arith.constant 0 : i32
    %dma_start3A_12 = tpu.memref_slice %arg3[%dma_start3A_10, %dma_start3A_11] : memref<1000x128xf32, #tpu.memory_space<hbm>> -> memref<1000x128xf32, #tpu.memory_space<hbm>>
    %dma_start3A_13 = tpu.memref_slice %arg7[%dma_start3A_2] : memref<4x!tpu.dma_semaphore, #tpu.memory_space<semaphore_mem>> -> memref<1x!tpu.dma_semaphore, #tpu.memory_space<semaphore_mem>>
    %dma_start3A_14 = tpu.memref_squeeze %dma_start3A_13 : memref<1x!tpu.dma_semaphore, #tpu.memory_space<semaphore_mem>> -> memref<!tpu.dma_semaphore, #tpu.memory_space<semaphore_mem>>
    tpu.enqueue_indirect_dma source(%dma_start3A_12 : memref<1000x128xf32, #tpu.memory_space<hbm>>) target(%dma_start3A_6 : memref<128x128xf32, #tpu.memory_space<vmem>>) offsets(%dma_start3A_9 : memref<128xi32, #tpu.memory_space<vmem>>) semaphore(%dma_start3A_14 : memref<!tpu.dma_semaphore, #tpu.memory_space<semaphore_mem>>)
    %dma_start3A_15 = arith.constant 1 : i32
    %dma_start3A_16 = arith.constant 1 : i32
    %dma_start3A_17 = arith.constant 1 : i32
    %dma_start3A_18 = arith.constant 0 : i32
    %dma_start3A_19 = arith.constant 0 : i32
    %dma_start3A_20 = tpu.memref_slice %arg6[%dma_start3A_16, %dma_start3A_18, %dma_start3A_19] : memref<4x128x128xf32, #tpu.memory_space<vmem>> -> memref<1x128x128xf32, #tpu.memory_space<vmem>>
    %dma_start3A_21 = tpu.memref_squeeze %dma_start3A_20 : memref<1x128x128xf32, #tpu.memory_space<vmem>> -> memref<128x128xf32, #tpu.memory_space<vmem>>
    %dma_start3A_22 = arith.constant 0 : i32
    %dma_start3A_23 = tpu.memref_slice %arg5[%dma_start3A_15, %dma_start3A_22] : memref<100x128xi32, #tpu.memory_space<vmem>> -> memref<1x128xi32, #tpu.memory_space<vmem>>
    %dma_start3A_24 = tpu.memref_squeeze %dma_start3A_23 : memref<1x128xi32, #tpu.memory_space<vmem>> -> memref<128xi32, #tpu.memory_space<vmem>>
    %dma_start3A_25 = arith.constant 0 : i32
    %dma_start3A_26 = arith.constant 0 : i32
    %dma_start3A_27 = tpu.memref_slice %arg3[%dma_start3A_25, %dma_start3A_26] : memref<1000x128xf32, #tpu.memory_space<hbm>> -> memref<1000x128xf32, #tpu.memory_space<hbm>>
    %dma_start3A_28 = tpu.memref_slice %arg7[%dma_start3A_17] : memref<4x!tpu.dma_semaphore, #tpu.memory_space<semaphore_mem>> -> memref<1x!tpu.dma_semaphore, #tpu.memory_space<semaphore_mem>>
    %dma_start3A_29 = tpu.memref_squeeze %dma_start3A_28 : memref<1x!tpu.dma_semaphore, #tpu.memory_space<semaphore_mem>> -> memref<!tpu.dma_semaphore, #tpu.memory_space<semaphore_mem>>
    tpu.enqueue_indirect_dma source(%dma_start3A_27 : memref<1000x128xf32, #tpu.memory_space<hbm>>) target(%dma_start3A_21 : memref<128x128xf32, #tpu.memory_space<vmem>>) offsets(%dma_start3A_24 : memref<128xi32, #tpu.memory_space<vmem>>) semaphore(%dma_start3A_29 : memref<!tpu.dma_semaphore, #tpu.memory_space<semaphore_mem>>)
    %dma_start3A_30 = arith.constant 2 : i32
    %dma_start3A_31 = arith.constant 2 : i32
    %dma_start3A_32 = arith.constant 2 : i32
    %dma_start3A_33 = arith.constant 0 : i32
    %dma_start3A_34 = arith.constant 0 : i32
    %dma_start3A_35 = tpu.memref_slice %arg6[%dma_start3A_31, %dma_start3A_33, %dma_start3A_34] : memref<4x128x128xf32, #tpu.memory_space<vmem>> -> memref<1x128x128xf32, #tpu.memory_space<vmem>>
    %dma_start3A_36 = tpu.memref_squeeze %dma_start3A_35 : memref<1x128x128xf32, #tpu.memory_space<vmem>> -> memref<128x128xf32, #tpu.memory_space<vmem>>
    %dma_start3A_37 = arith.constant 0 : i32
    %dma_start3A_38 = tpu.memref_slice %arg5[%dma_start3A_30, %dma_start3A_37] : memref<100x128xi32, #tpu.memory_space<vmem>> -> memref<1x128xi32, #tpu.memory_space<vmem>>
    %dma_start3A_39 = tpu.memref_squeeze %dma_start3A_38 : memref<1x128xi32, #tpu.memory_space<vmem>> -> memref<128xi32, #tpu.memory_space<vmem>>
    %dma_start3A_40 = arith.constant 0 : i32
    %dma_start3A_41 = arith.constant 0 : i32
    %dma_start3A_42 = tpu.memref_slice %arg3[%dma_start3A_40, %dma_start3A_41] : memref<1000x128xf32, #tpu.memory_space<hbm>> -> memref<1000x128xf32, #tpu.memory_space<hbm>>
    %dma_start3A_43 = tpu.memref_slice %arg7[%dma_start3A_32] : memref<4x!tpu.dma_semaphore, #tpu.memory_space<semaphore_mem>> -> memref<1x!tpu.dma_semaphore, #tpu.memory_space<semaphore_mem>>
    %dma_start3A_44 = tpu.memref_squeeze %dma_start3A_43 : memref<1x!tpu.dma_semaphore, #tpu.memory_space<semaphore_mem>> -> memref<!tpu.dma_semaphore, #tpu.memory_space<semaphore_mem>>
    tpu.enqueue_indirect_dma source(%dma_start3A_42 : memref<1000x128xf32, #tpu.memory_space<hbm>>) target(%dma_start3A_36 : memref<128x128xf32, #tpu.memory_space<vmem>>) offsets(%dma_start3A_39 : memref<128xi32, #tpu.memory_space<vmem>>) semaphore(%dma_start3A_44 : memref<!tpu.dma_semaphore, #tpu.memory_space<semaphore_mem>>)
    %dma_start3A_45 = arith.constant 3 : i32
    %dma_start3A_46 = arith.constant 3 : i32
    %dma_start3A_47 = arith.constant 3 : i32
    %dma_start3A_48 = arith.constant 0 : i32
    %dma_start3A_49 = arith.constant 0 : i32
    %dma_start3A_50 = tpu.memref_slice %arg6[%dma_start3A_46, %dma_start3A_48, %dma_start3A_49] : memref<4x128x128xf32, #tpu.memory_space<vmem>> -> memref<1x128x128xf32, #tpu.memory_space<vmem>>
    %dma_start3A_51 = tpu.memref_squeeze %dma_start3A_50 : memref<1x128x128xf32, #tpu.memory_space<vmem>> -> memref<128x128xf32, #tpu.memory_space<vmem>>
    %dma_start3A_52 = arith.constant 0 : i32
    %dma_start3A_53 = tpu.memref_slice %arg5[%dma_start3A_45, %dma_start3A_52] : memref<100x128xi32, #tpu.memory_space<vmem>> -> memref<1x128xi32, #tpu.memory_space<vmem>>
    %dma_start3A_54 = tpu.memref_squeeze %dma_start3A_53 : memref<1x128xi32, #tpu.memory_space<vmem>> -> memref<128xi32, #tpu.memory_space<vmem>>
    %dma_start3A_55 = arith.constant 0 : i32
    %dma_start3A_56 = arith.constant 0 : i32
    %dma_start3A_57 = tpu.memref_slice %arg3[%dma_start3A_55, %dma_start3A_56] : memref<1000x128xf32, #tpu.memory_space<hbm>> -> memref<1000x128xf32, #tpu.memory_space<hbm>>
    %dma_start3A_58 = tpu.memref_slice %arg7[%dma_start3A_47] : memref<4x!tpu.dma_semaphore, #tpu.memory_space<semaphore_mem>> -> memref<1x!tpu.dma_semaphore, #tpu.memory_space<semaphore_mem>>
    %dma_start3A_59 = tpu.memref_squeeze %dma_start3A_58 : memref<1x!tpu.dma_semaphore, #tpu.memory_space<semaphore_mem>> -> memref<!tpu.dma_semaphore, #tpu.memory_space<semaphore_mem>>
    tpu.enqueue_indirect_dma source(%dma_start3A_57 : memref<1000x128xf32, #tpu.memory_space<hbm>>) target(%dma_start3A_51 : memref<128x128xf32, #tpu.memory_space<vmem>>) offsets(%dma_start3A_54 : memref<128xi32, #tpu.memory_space<vmem>>) semaphore(%dma_start3A_59 : memref<!tpu.dma_semaphore, #tpu.memory_space<semaphore_mem>>)
    %scan3A = arith.constant 0 : i32
    %scan3A_60 = arith.constant 0 : i32
    %scan3A_61 = arith.constant 25 : i32
    %scan3A_62 = arith.addi %scan3A_60, %scan3A_61 : i32
    %scan3A_63 = arith.constant 1 : i32
    scf.for %scan3A_148 = %scan3A_60 to %scan3A_62 step %scan3A_63  : i32 {
      %mul3A_149 = arith.constant 4 : i32
      %mul3A_150 = arith.muli %scan3A_148, %mul3A_149 : i32
      %add3A_151 = arith.constant 0 : i32
      %add3A_152 = arith.addi %mul3A_150, %add3A_151 : i32
      %dma_wait3A_153 = arith.constant 0 : i32
      %dma_wait3A_154 = arith.constant 0 : i32
      %dma_wait3A_155 = arith.constant 0 : i32
      %dma_wait3A_156 = arith.constant 0 : i32
      %dma_wait3A_157 = tpu.memref_slice %arg6[%dma_wait3A_153, %dma_wait3A_155, %dma_wait3A_156] : memref<4x128x128xf32, #tpu.memory_space<vmem>> -> memref<1x128x128xf32, #tpu.memory_space<vmem>>
      %dma_wait3A_158 = tpu.memref_squeeze %dma_wait3A_157 : memref<1x128x128xf32, #tpu.memory_space<vmem>> -> memref<128x128xf32, #tpu.memory_space<vmem>>
      %dma_wait3A_159 = arith.constant 0 : i32
      %dma_wait3A_160 = tpu.memref_slice %arg5[%add3A_152, %dma_wait3A_159] : memref<100x128xi32, #tpu.memory_space<vmem>> -> memref<1x128xi32, #tpu.memory_space<vmem>>
      %dma_wait3A_161 = tpu.memref_squeeze %dma_wait3A_160 : memref<1x128xi32, #tpu.memory_space<vmem>> -> memref<128xi32, #tpu.memory_space<vmem>>
      %dma_wait3A_162 = arith.constant 0 : i32
      %dma_wait3A_163 = arith.constant 0 : i32
      %dma_wait3A_164 = tpu.memref_slice %arg3[%dma_wait3A_162, %dma_wait3A_163] : memref<1000x128xf32, #tpu.memory_space<hbm>> -> memref<1000x128xf32, #tpu.memory_space<hbm>>
      %dma_wait3A_165 = tpu.memref_slice %arg7[%dma_wait3A_154] : memref<4x!tpu.dma_semaphore, #tpu.memory_space<semaphore_mem>> -> memref<1x!tpu.dma_semaphore, #tpu.memory_space<semaphore_mem>>
      %dma_wait3A_166 = tpu.memref_squeeze %dma_wait3A_165 : memref<1x!tpu.dma_semaphore, #tpu.memory_space<semaphore_mem>> -> memref<!tpu.dma_semaphore, #tpu.memory_space<semaphore_mem>>
      tpu.wait_indirect_dma semaphore(%dma_wait3A_166 : memref<!tpu.dma_semaphore, #tpu.memory_space<semaphore_mem>>) src(%dma_wait3A_164 : memref<1000x128xf32, #tpu.memory_space<hbm>>) dst(%dma_wait3A_158 : memref<128x128xf32, #tpu.memory_space<vmem>>)
      %dma_start3A_167 = arith.constant 0 : i32
      %dma_start3A_168 = arith.constant 0 : i32
      %dma_start3A_169 = arith.constant 0 : i32
      %dma_start3A_170 = arith.constant 0 : i32
      %dma_start3A_171 = tpu.memref_slice %arg6[%dma_start3A_167, %dma_start3A_169, %dma_start3A_170] : memref<4x128x128xf32, #tpu.memory_space<vmem>> -> memref<1x128x128xf32, #tpu.memory_space<vmem>>
      %dma_start3A_172 = tpu.memref_squeeze %dma_start3A_171 : memref<1x128x128xf32, #tpu.memory_space<vmem>> -> memref<128x128xf32, #tpu.memory_space<vmem>>
      %dma_start3A_173 = arith.constant 0 : i32
      %dma_start3A_174 = arith.constant 0 : i32
      %dma_start3A_175 = tpu.memref_slice %arg4[%add3A, %add3A_152, %dma_start3A_173, %dma_start3A_174] : memref<32x100x128x128xf32, #tpu.memory_space<hbm>> -> memref<1x1x128x128xf32, #tpu.memory_space<hbm>>
      %dma_start3A_176 = tpu.memref_squeeze %dma_start3A_175 : memref<1x1x128x128xf32, #tpu.memory_space<hbm>> -> memref<128x128xf32, #tpu.memory_space<hbm>>
      %dma_start3A_177 = tpu.memref_slice %arg8[%dma_start3A_168] : memref<4x!tpu.dma_semaphore, #tpu.memory_space<semaphore_mem>> -> memref<1x!tpu.dma_semaphore, #tpu.memory_space<semaphore_mem>>
      %dma_start3A_178 = tpu.memref_squeeze %dma_start3A_177 : memref<1x!tpu.dma_semaphore, #tpu.memory_space<semaphore_mem>> -> memref<!tpu.dma_semaphore, #tpu.memory_space<semaphore_mem>>
      %dma_start3A_179 = arith.constant 0 : i32
      %dma_start3A_180 = arith.constant 0 : i32
      %dma_start3A_181 = tpu.memref_slice %arg4[%add3A, %add3A_152, %dma_start3A_179, %dma_start3A_180] : memref<32x100x128x128xf32, #tpu.memory_space<hbm>> -> memref<1x1x128x128xf32, #tpu.memory_space<hbm>>
      %dma_start3A_182 = tpu.memref_squeeze %dma_start3A_181 : memref<1x1x128x128xf32, #tpu.memory_space<hbm>> -> memref<128x128xf32, #tpu.memory_space<hbm>>
      %dma_start3A_183 = arith.constant 0 : i32
      %dma_start3A_184 = arith.constant 0 : i32
      %dma_start3A_185 = tpu.memref_slice %arg6[%dma_start3A_167, %dma_start3A_183, %dma_start3A_184] : memref<4x128x128xf32, #tpu.memory_space<vmem>> -> memref<1x128x128xf32, #tpu.memory_space<vmem>>
      %dma_start3A_186 = tpu.memref_squeeze %dma_start3A_185 : memref<1x128x128xf32, #tpu.memory_space<vmem>> -> memref<128x128xf32, #tpu.memory_space<vmem>>
      tpu.enqueue_dma source(%dma_start3A_186 : memref<128x128xf32, #tpu.memory_space<vmem>>) target(%dma_start3A_182 : memref<128x128xf32, #tpu.memory_space<hbm>>) target_semaphore(%dma_start3A_178 : memref<!tpu.dma_semaphore, #tpu.memory_space<semaphore_mem>>)
      %add3A_187 = arith.constant 4 : i32
      %add3A_188 = arith.addi %add3A_152, %add3A_187 : i32
      %sub3A = arith.constant 1 : i32
      %sub3A_189 = arith.subi %add3A_188, %sub3A : i32
      %ge3A = arith.constant 1 : i32
      %ge3A_190 = arith.cmpi sge, %add3A_152, %ge3A : i32
      %lt3A = arith.constant 100 : i32
      %lt3A_191 = arith.cmpi slt, %sub3A_189, %lt3A : i32
      %and3A = arith.andi %ge3A_190, %lt3A_191 : i1
      %convert_element_type3A = arith.extui %and3A : i1 to i32
      %cond3A = arith.constant 0 : i32
      %cond3A_192 = arith.cmpi ne, %convert_element_type3A, %cond3A : i32
      scf.if %cond3A_192 {
        %sub3A_343 = arith.constant 1 : i32
        %sub3A_344 = arith.subi %add3A_152, %sub3A_343 : i32
        %dma_wait3A_345 = arith.constant 3 : i32
        %dma_wait3A_346 = arith.constant 3 : i32
        %dma_wait3A_347 = arith.constant 0 : i32
        %dma_wait3A_348 = arith.constant 0 : i32
        %dma_wait3A_349 = tpu.memref_slice %arg6[%dma_wait3A_345, %dma_wait3A_347, %dma_wait3A_348] : memref<4x128x128xf32, #tpu.memory_space<vmem>> -> memref<1x128x128xf32, #tpu.memory_space<vmem>>
        %dma_wait3A_350 = tpu.memref_squeeze %dma_wait3A_349 : memref<1x128x128xf32, #tpu.memory_space<vmem>> -> memref<128x128xf32, #tpu.memory_space<vmem>>
        %dma_wait3A_351 = arith.constant 0 : i32
        %dma_wait3A_352 = arith.constant 0 : i32
        %dma_wait3A_353 = tpu.memref_slice %arg4[%add3A, %sub3A_344, %dma_wait3A_351, %dma_wait3A_352] : memref<32x100x128x128xf32, #tpu.memory_space<hbm>> -> memref<1x1x128x128xf32, #tpu.memory_space<hbm>>
        %dma_wait3A_354 = tpu.memref_squeeze %dma_wait3A_353 : memref<1x1x128x128xf32, #tpu.memory_space<hbm>> -> memref<128x128xf32, #tpu.memory_space<hbm>>
        %dma_wait3A_355 = tpu.memref_slice %arg8[%dma_wait3A_346] : memref<4x!tpu.dma_semaphore, #tpu.memory_space<semaphore_mem>> -> memref<1x!tpu.dma_semaphore, #tpu.memory_space<semaphore_mem>>
        %dma_wait3A_356 = tpu.memref_squeeze %dma_wait3A_355 : memref<1x!tpu.dma_semaphore, #tpu.memory_space<semaphore_mem>> -> memref<!tpu.dma_semaphore, #tpu.memory_space<semaphore_mem>>
        %dma_wait3A_357 = arith.constant 0 : i32
        %dma_wait3A_358 = arith.constant 0 : i32
        %dma_wait3A_359 = tpu.memref_slice %arg4[%add3A, %sub3A_344, %dma_wait3A_357, %dma_wait3A_358] : memref<32x100x128x128xf32, #tpu.memory_space<hbm>> -> memref<1x1x128x128xf32, #tpu.memory_space<hbm>>
        %dma_wait3A_360 = tpu.memref_squeeze %dma_wait3A_359 : memref<1x1x128x128xf32, #tpu.memory_space<hbm>> -> memref<128x128xf32, #tpu.memory_space<hbm>>
        %dma_wait3A_361 = arith.constant 0 : i32
        %dma_wait3A_362 = arith.constant 0 : i32
        %dma_wait3A_363 = tpu.memref_slice %arg6[%dma_wait3A_345, %dma_wait3A_361, %dma_wait3A_362] : memref<4x128x128xf32, #tpu.memory_space<vmem>> -> memref<1x128x128xf32, #tpu.memory_space<vmem>>
        %dma_wait3A_364 = tpu.memref_squeeze %dma_wait3A_363 : memref<1x128x128xf32, #tpu.memory_space<vmem>> -> memref<128x128xf32, #tpu.memory_space<vmem>>
        tpu.wait_dma2 semaphore(%dma_wait3A_356 : memref<!tpu.dma_semaphore, #tpu.memory_space<semaphore_mem>>) src(%dma_wait3A_364 : memref<128x128xf32, #tpu.memory_space<vmem>>) dst(%dma_wait3A_360 : memref<128x128xf32, #tpu.memory_space<hbm>>)
        %dma_start3A_365 = arith.constant 3 : i32
        %dma_start3A_366 = arith.constant 3 : i32
        %dma_start3A_367 = arith.constant 0 : i32
        %dma_start3A_368 = arith.constant 0 : i32
        %dma_start3A_369 = tpu.memref_slice %arg6[%dma_start3A_365, %dma_start3A_367, %dma_start3A_368] : memref<4x128x128xf32, #tpu.memory_space<vmem>> -> memref<1x128x128xf32, #tpu.memory_space<vmem>>
        %dma_start3A_370 = tpu.memref_squeeze %dma_start3A_369 : memref<1x128x128xf32, #tpu.memory_space<vmem>> -> memref<128x128xf32, #tpu.memory_space<vmem>>
        %dma_start3A_371 = arith.constant 0 : i32
        %dma_start3A_372 = tpu.memref_slice %arg5[%sub3A_189, %dma_start3A_371] : memref<100x128xi32, #tpu.memory_space<vmem>> -> memref<1x128xi32, #tpu.memory_space<vmem>>
        %dma_start3A_373 = tpu.memref_squeeze %dma_start3A_372 : memref<1x128xi32, #tpu.memory_space<vmem>> -> memref<128xi32, #tpu.memory_space<vmem>>
        %dma_start3A_374 = arith.constant 0 : i32
        %dma_start3A_375 = arith.constant 0 : i32
        %dma_start3A_376 = tpu.memref_slice %arg3[%dma_start3A_374, %dma_start3A_375] : memref<1000x128xf32, #tpu.memory_space<hbm>> -> memref<1000x128xf32, #tpu.memory_space<hbm>>
        %dma_start3A_377 = tpu.memref_slice %arg7[%dma_start3A_366] : memref<4x!tpu.dma_semaphore, #tpu.memory_space<semaphore_mem>> -> memref<1x!tpu.dma_semaphore, #tpu.memory_space<semaphore_mem>>
        %dma_start3A_378 = tpu.memref_squeeze %dma_start3A_377 : memref<1x!tpu.dma_semaphore, #tpu.memory_space<semaphore_mem>> -> memref<!tpu.dma_semaphore, #tpu.memory_space<semaphore_mem>>
        tpu.enqueue_indirect_dma source(%dma_start3A_376 : memref<1000x128xf32, #tpu.memory_space<hbm>>) target(%dma_start3A_370 : memref<128x128xf32, #tpu.memory_space<vmem>>) offsets(%dma_start3A_373 : memref<128xi32, #tpu.memory_space<vmem>>) semaphore(%dma_start3A_378 : memref<!tpu.dma_semaphore, #tpu.memory_space<semaphore_mem>>)
      } else {
      }
      %mul3A_193 = arith.constant 4 : i32
      %mul3A_194 = arith.muli %scan3A_148, %mul3A_193 : i32
      %add3A_195 = arith.constant 1 : i32
      %add3A_196 = arith.addi %mul3A_194, %add3A_195 : i32
      %dma_wait3A_197 = arith.constant 1 : i32
      %dma_wait3A_198 = arith.constant 1 : i32
      %dma_wait3A_199 = arith.constant 0 : i32
      %dma_wait3A_200 = arith.constant 0 : i32
      %dma_wait3A_201 = tpu.memref_slice %arg6[%dma_wait3A_197, %dma_wait3A_199, %dma_wait3A_200] : memref<4x128x128xf32, #tpu.memory_space<vmem>> -> memref<1x128x128xf32, #tpu.memory_space<vmem>>
      %dma_wait3A_202 = tpu.memref_squeeze %dma_wait3A_201 : memref<1x128x128xf32, #tpu.memory_space<vmem>> -> memref<128x128xf32, #tpu.memory_space<vmem>>
      %dma_wait3A_203 = arith.constant 0 : i32
      %dma_wait3A_204 = tpu.memref_slice %arg5[%add3A_196, %dma_wait3A_203] : memref<100x128xi32, #tpu.memory_space<vmem>> -> memref<1x128xi32, #tpu.memory_space<vmem>>
      %dma_wait3A_205 = tpu.memref_squeeze %dma_wait3A_204 : memref<1x128xi32, #tpu.memory_space<vmem>> -> memref<128xi32, #tpu.memory_space<vmem>>
      %dma_wait3A_206 = arith.constant 0 : i32
      %dma_wait3A_207 = arith.constant 0 : i32
      %dma_wait3A_208 = tpu.memref_slice %arg3[%dma_wait3A_206, %dma_wait3A_207] : memref<1000x128xf32, #tpu.memory_space<hbm>> -> memref<1000x128xf32, #tpu.memory_space<hbm>>
      %dma_wait3A_209 = tpu.memref_slice %arg7[%dma_wait3A_198] : memref<4x!tpu.dma_semaphore, #tpu.memory_space<semaphore_mem>> -> memref<1x!tpu.dma_semaphore, #tpu.memory_space<semaphore_mem>>
      %dma_wait3A_210 = tpu.memref_squeeze %dma_wait3A_209 : memref<1x!tpu.dma_semaphore, #tpu.memory_space<semaphore_mem>> -> memref<!tpu.dma_semaphore, #tpu.memory_space<semaphore_mem>>
      tpu.wait_indirect_dma semaphore(%dma_wait3A_210 : memref<!tpu.dma_semaphore, #tpu.memory_space<semaphore_mem>>) src(%dma_wait3A_208 : memref<1000x128xf32, #tpu.memory_space<hbm>>) dst(%dma_wait3A_202 : memref<128x128xf32, #tpu.memory_space<vmem>>)
      %dma_start3A_211 = arith.constant 1 : i32
      %dma_start3A_212 = arith.constant 1 : i32
      %dma_start3A_213 = arith.constant 0 : i32
      %dma_start3A_214 = arith.constant 0 : i32
      %dma_start3A_215 = tpu.memref_slice %arg6[%dma_start3A_211, %dma_start3A_213, %dma_start3A_214] : memref<4x128x128xf32, #tpu.memory_space<vmem>> -> memref<1x128x128xf32, #tpu.memory_space<vmem>>
      %dma_start3A_216 = tpu.memref_squeeze %dma_start3A_215 : memref<1x128x128xf32, #tpu.memory_space<vmem>> -> memref<128x128xf32, #tpu.memory_space<vmem>>
      %dma_start3A_217 = arith.constant 0 : i32
      %dma_start3A_218 = arith.constant 0 : i32
      %dma_start3A_219 = tpu.memref_slice %arg4[%add3A, %add3A_196, %dma_start3A_217, %dma_start3A_218] : memref<32x100x128x128xf32, #tpu.memory_space<hbm>> -> memref<1x1x128x128xf32, #tpu.memory_space<hbm>>
      %dma_start3A_220 = tpu.memref_squeeze %dma_start3A_219 : memref<1x1x128x128xf32, #tpu.memory_space<hbm>> -> memref<128x128xf32, #tpu.memory_space<hbm>>
      %dma_start3A_221 = tpu.memref_slice %arg8[%dma_start3A_212] : memref<4x!tpu.dma_semaphore, #tpu.memory_space<semaphore_mem>> -> memref<1x!tpu.dma_semaphore, #tpu.memory_space<semaphore_mem>>
      %dma_start3A_222 = tpu.memref_squeeze %dma_start3A_221 : memref<1x!tpu.dma_semaphore, #tpu.memory_space<semaphore_mem>> -> memref<!tpu.dma_semaphore, #tpu.memory_space<semaphore_mem>>
      %dma_start3A_223 = arith.constant 0 : i32
      %dma_start3A_224 = arith.constant 0 : i32
      %dma_start3A_225 = tpu.memref_slice %arg4[%add3A, %add3A_196, %dma_start3A_223, %dma_start3A_224] : memref<32x100x128x128xf32, #tpu.memory_space<hbm>> -> memref<1x1x128x128xf32, #tpu.memory_space<hbm>>
      %dma_start3A_226 = tpu.memref_squeeze %dma_start3A_225 : memref<1x1x128x128xf32, #tpu.memory_space<hbm>> -> memref<128x128xf32, #tpu.memory_space<hbm>>
      %dma_start3A_227 = arith.constant 0 : i32
      %dma_start3A_228 = arith.constant 0 : i32
      %dma_start3A_229 = tpu.memref_slice %arg6[%dma_start3A_211, %dma_start3A_227, %dma_start3A_228] : memref<4x128x128xf32, #tpu.memory_space<vmem>> -> memref<1x128x128xf32, #tpu.memory_space<vmem>>
      %dma_start3A_230 = tpu.memref_squeeze %dma_start3A_229 : memref<1x128x128xf32, #tpu.memory_space<vmem>> -> memref<128x128xf32, #tpu.memory_space<vmem>>
      tpu.enqueue_dma source(%dma_start3A_230 : memref<128x128xf32, #tpu.memory_space<vmem>>) target(%dma_start3A_226 : memref<128x128xf32, #tpu.memory_space<hbm>>) target_semaphore(%dma_start3A_222 : memref<!tpu.dma_semaphore, #tpu.memory_space<semaphore_mem>>)
      %add3A_231 = arith.constant 4 : i32
      %add3A_232 = arith.addi %add3A_196, %add3A_231 : i32
      %sub3A_233 = arith.constant 1 : i32
      %sub3A_234 = arith.subi %add3A_232, %sub3A_233 : i32
      %ge3A_235 = arith.constant 1 : i32
      %ge3A_236 = arith.cmpi sge, %add3A_196, %ge3A_235 : i32
      %lt3A_237 = arith.constant 100 : i32
      %lt3A_238 = arith.cmpi slt, %sub3A_234, %lt3A_237 : i32
      %and3A_239 = arith.andi %ge3A_236, %lt3A_238 : i1
      %convert_element_type3A_240 = arith.extui %and3A_239 : i1 to i32
      %cond3A_241 = arith.constant 0 : i32
      %cond3A_242 = arith.cmpi ne, %convert_element_type3A_240, %cond3A_241 : i32
      scf.if %cond3A_242 {
        %sub3A_343 = arith.constant 1 : i32
        %sub3A_344 = arith.subi %add3A_196, %sub3A_343 : i32
        %dma_wait3A_345 = arith.constant 0 : i32
        %dma_wait3A_346 = arith.constant 0 : i32
        %dma_wait3A_347 = arith.constant 0 : i32
        %dma_wait3A_348 = arith.constant 0 : i32
        %dma_wait3A_349 = tpu.memref_slice %arg6[%dma_wait3A_345, %dma_wait3A_347, %dma_wait3A_348] : memref<4x128x128xf32, #tpu.memory_space<vmem>> -> memref<1x128x128xf32, #tpu.memory_space<vmem>>
        %dma_wait3A_350 = tpu.memref_squeeze %dma_wait3A_349 : memref<1x128x128xf32, #tpu.memory_space<vmem>> -> memref<128x128xf32, #tpu.memory_space<vmem>>
        %dma_wait3A_351 = arith.constant 0 : i32
        %dma_wait3A_352 = arith.constant 0 : i32
        %dma_wait3A_353 = tpu.memref_slice %arg4[%add3A, %sub3A_344, %dma_wait3A_351, %dma_wait3A_352] : memref<32x100x128x128xf32, #tpu.memory_space<hbm>> -> memref<1x1x128x128xf32, #tpu.memory_space<hbm>>
        %dma_wait3A_354 = tpu.memref_squeeze %dma_wait3A_353 : memref<1x1x128x128xf32, #tpu.memory_space<hbm>> -> memref<128x128xf32, #tpu.memory_space<hbm>>
        %dma_wait3A_355 = tpu.memref_slice %arg8[%dma_wait3A_346] : memref<4x!tpu.dma_semaphore, #tpu.memory_space<semaphore_mem>> -> memref<1x!tpu.dma_semaphore, #tpu.memory_space<semaphore_mem>>
        %dma_wait3A_356 = tpu.memref_squeeze %dma_wait3A_355 : memref<1x!tpu.dma_semaphore, #tpu.memory_space<semaphore_mem>> -> memref<!tpu.dma_semaphore, #tpu.memory_space<semaphore_mem>>
        %dma_wait3A_357 = arith.constant 0 : i32
        %dma_wait3A_358 = arith.constant 0 : i32
        %dma_wait3A_359 = tpu.memref_slice %arg4[%add3A, %sub3A_344, %dma_wait3A_357, %dma_wait3A_358] : memref<32x100x128x128xf32, #tpu.memory_space<hbm>> -> memref<1x1x128x128xf32, #tpu.memory_space<hbm>>
        %dma_wait3A_360 = tpu.memref_squeeze %dma_wait3A_359 : memref<1x1x128x128xf32, #tpu.memory_space<hbm>> -> memref<128x128xf32, #tpu.memory_space<hbm>>
        %dma_wait3A_361 = arith.constant 0 : i32
        %dma_wait3A_362 = arith.constant 0 : i32
        %dma_wait3A_363 = tpu.memref_slice %arg6[%dma_wait3A_345, %dma_wait3A_361, %dma_wait3A_362] : memref<4x128x128xf32, #tpu.memory_space<vmem>> -> memref<1x128x128xf32, #tpu.memory_space<vmem>>
        %dma_wait3A_364 = tpu.memref_squeeze %dma_wait3A_363 : memref<1x128x128xf32, #tpu.memory_space<vmem>> -> memref<128x128xf32, #tpu.memory_space<vmem>>
        tpu.wait_dma2 semaphore(%dma_wait3A_356 : memref<!tpu.dma_semaphore, #tpu.memory_space<semaphore_mem>>) src(%dma_wait3A_364 : memref<128x128xf32, #tpu.memory_space<vmem>>) dst(%dma_wait3A_360 : memref<128x128xf32, #tpu.memory_space<hbm>>)
        %dma_start3A_365 = arith.constant 0 : i32
        %dma_start3A_366 = arith.constant 0 : i32
        %dma_start3A_367 = arith.constant 0 : i32
        %dma_start3A_368 = arith.constant 0 : i32
        %dma_start3A_369 = tpu.memref_slice %arg6[%dma_start3A_365, %dma_start3A_367, %dma_start3A_368] : memref<4x128x128xf32, #tpu.memory_space<vmem>> -> memref<1x128x128xf32, #tpu.memory_space<vmem>>
        %dma_start3A_370 = tpu.memref_squeeze %dma_start3A_369 : memref<1x128x128xf32, #tpu.memory_space<vmem>> -> memref<128x128xf32, #tpu.memory_space<vmem>>
        %dma_start3A_371 = arith.constant 0 : i32
        %dma_start3A_372 = tpu.memref_slice %arg5[%sub3A_234, %dma_start3A_371] : memref<100x128xi32, #tpu.memory_space<vmem>> -> memref<1x128xi32, #tpu.memory_space<vmem>>
        %dma_start3A_373 = tpu.memref_squeeze %dma_start3A_372 : memref<1x128xi32, #tpu.memory_space<vmem>> -> memref<128xi32, #tpu.memory_space<vmem>>
        %dma_start3A_374 = arith.constant 0 : i32
        %dma_start3A_375 = arith.constant 0 : i32
        %dma_start3A_376 = tpu.memref_slice %arg3[%dma_start3A_374, %dma_start3A_375] : memref<1000x128xf32, #tpu.memory_space<hbm>> -> memref<1000x128xf32, #tpu.memory_space<hbm>>
        %dma_start3A_377 = tpu.memref_slice %arg7[%dma_start3A_366] : memref<4x!tpu.dma_semaphore, #tpu.memory_space<semaphore_mem>> -> memref<1x!tpu.dma_semaphore, #tpu.memory_space<semaphore_mem>>
        %dma_start3A_378 = tpu.memref_squeeze %dma_start3A_377 : memref<1x!tpu.dma_semaphore, #tpu.memory_space<semaphore_mem>> -> memref<!tpu.dma_semaphore, #tpu.memory_space<semaphore_mem>>
        tpu.enqueue_indirect_dma source(%dma_start3A_376 : memref<1000x128xf32, #tpu.memory_space<hbm>>) target(%dma_start3A_370 : memref<128x128xf32, #tpu.memory_space<vmem>>) offsets(%dma_start3A_373 : memref<128xi32, #tpu.memory_space<vmem>>) semaphore(%dma_start3A_378 : memref<!tpu.dma_semaphore, #tpu.memory_space<semaphore_mem>>)
      } else {
      }
      %mul3A_243 = arith.constant 4 : i32
      %mul3A_244 = arith.muli %scan3A_148, %mul3A_243 : i32
      %add3A_245 = arith.constant 2 : i32
      %add3A_246 = arith.addi %mul3A_244, %add3A_245 : i32
      %dma_wait3A_247 = arith.constant 2 : i32
      %dma_wait3A_248 = arith.constant 2 : i32
      %dma_wait3A_249 = arith.constant 0 : i32
      %dma_wait3A_250 = arith.constant 0 : i32
      %dma_wait3A_251 = tpu.memref_slice %arg6[%dma_wait3A_247, %dma_wait3A_249, %dma_wait3A_250] : memref<4x128x128xf32, #tpu.memory_space<vmem>> -> memref<1x128x128xf32, #tpu.memory_space<vmem>>
      %dma_wait3A_252 = tpu.memref_squeeze %dma_wait3A_251 : memref<1x128x128xf32, #tpu.memory_space<vmem>> -> memref<128x128xf32, #tpu.memory_space<vmem>>
      %dma_wait3A_253 = arith.constant 0 : i32
      %dma_wait3A_254 = tpu.memref_slice %arg5[%add3A_246, %dma_wait3A_253] : memref<100x128xi32, #tpu.memory_space<vmem>> -> memref<1x128xi32, #tpu.memory_space<vmem>>
      %dma_wait3A_255 = tpu.memref_squeeze %dma_wait3A_254 : memref<1x128xi32, #tpu.memory_space<vmem>> -> memref<128xi32, #tpu.memory_space<vmem>>
      %dma_wait3A_256 = arith.constant 0 : i32
      %dma_wait3A_257 = arith.constant 0 : i32
      %dma_wait3A_258 = tpu.memref_slice %arg3[%dma_wait3A_256, %dma_wait3A_257] : memref<1000x128xf32, #tpu.memory_space<hbm>> -> memref<1000x128xf32, #tpu.memory_space<hbm>>
      %dma_wait3A_259 = tpu.memref_slice %arg7[%dma_wait3A_248] : memref<4x!tpu.dma_semaphore, #tpu.memory_space<semaphore_mem>> -> memref<1x!tpu.dma_semaphore, #tpu.memory_space<semaphore_mem>>
      %dma_wait3A_260 = tpu.memref_squeeze %dma_wait3A_259 : memref<1x!tpu.dma_semaphore, #tpu.memory_space<semaphore_mem>> -> memref<!tpu.dma_semaphore, #tpu.memory_space<semaphore_mem>>
      tpu.wait_indirect_dma semaphore(%dma_wait3A_260 : memref<!tpu.dma_semaphore, #tpu.memory_space<semaphore_mem>>) src(%dma_wait3A_258 : memref<1000x128xf32, #tpu.memory_space<hbm>>) dst(%dma_wait3A_252 : memref<128x128xf32, #tpu.memory_space<vmem>>)
      %dma_start3A_261 = arith.constant 2 : i32
      %dma_start3A_262 = arith.constant 2 : i32
      %dma_start3A_263 = arith.constant 0 : i32
      %dma_start3A_264 = arith.constant 0 : i32
      %dma_start3A_265 = tpu.memref_slice %arg6[%dma_start3A_261, %dma_start3A_263, %dma_start3A_264] : memref<4x128x128xf32, #tpu.memory_space<vmem>> -> memref<1x128x128xf32, #tpu.memory_space<vmem>>
      %dma_start3A_266 = tpu.memref_squeeze %dma_start3A_265 : memref<1x128x128xf32, #tpu.memory_space<vmem>> -> memref<128x128xf32, #tpu.memory_space<vmem>>
      %dma_start3A_267 = arith.constant 0 : i32
      %dma_start3A_268 = arith.constant 0 : i32
      %dma_start3A_269 = tpu.memref_slice %arg4[%add3A, %add3A_246, %dma_start3A_267, %dma_start3A_268] : memref<32x100x128x128xf32, #tpu.memory_space<hbm>> -> memref<1x1x128x128xf32, #tpu.memory_space<hbm>>
      %dma_start3A_270 = tpu.memref_squeeze %dma_start3A_269 : memref<1x1x128x128xf32, #tpu.memory_space<hbm>> -> memref<128x128xf32, #tpu.memory_space<hbm>>
      %dma_start3A_271 = tpu.memref_slice %arg8[%dma_start3A_262] : memref<4x!tpu.dma_semaphore, #tpu.memory_space<semaphore_mem>> -> memref<1x!tpu.dma_semaphore, #tpu.memory_space<semaphore_mem>>
      %dma_start3A_272 = tpu.memref_squeeze %dma_start3A_271 : memref<1x!tpu.dma_semaphore, #tpu.memory_space<semaphore_mem>> -> memref<!tpu.dma_semaphore, #tpu.memory_space<semaphore_mem>>
      %dma_start3A_273 = arith.constant 0 : i32
      %dma_start3A_274 = arith.constant 0 : i32
      %dma_start3A_275 = tpu.memref_slice %arg4[%add3A, %add3A_246, %dma_start3A_273, %dma_start3A_274] : memref<32x100x128x128xf32, #tpu.memory_space<hbm>> -> memref<1x1x128x128xf32, #tpu.memory_space<hbm>>
      %dma_start3A_276 = tpu.memref_squeeze %dma_start3A_275 : memref<1x1x128x128xf32, #tpu.memory_space<hbm>> -> memref<128x128xf32, #tpu.memory_space<hbm>>
      %dma_start3A_277 = arith.constant 0 : i32
      %dma_start3A_278 = arith.constant 0 : i32
      %dma_start3A_279 = tpu.memref_slice %arg6[%dma_start3A_261, %dma_start3A_277, %dma_start3A_278] : memref<4x128x128xf32, #tpu.memory_space<vmem>> -> memref<1x128x128xf32, #tpu.memory_space<vmem>>
      %dma_start3A_280 = tpu.memref_squeeze %dma_start3A_279 : memref<1x128x128xf32, #tpu.memory_space<vmem>> -> memref<128x128xf32, #tpu.memory_space<vmem>>
      tpu.enqueue_dma source(%dma_start3A_280 : memref<128x128xf32, #tpu.memory_space<vmem>>) target(%dma_start3A_276 : memref<128x128xf32, #tpu.memory_space<hbm>>) target_semaphore(%dma_start3A_272 : memref<!tpu.dma_semaphore, #tpu.memory_space<semaphore_mem>>)
      %add3A_281 = arith.constant 4 : i32
      %add3A_282 = arith.addi %add3A_246, %add3A_281 : i32
      %sub3A_283 = arith.constant 1 : i32
      %sub3A_284 = arith.subi %add3A_282, %sub3A_283 : i32
      %ge3A_285 = arith.constant 1 : i32
      %ge3A_286 = arith.cmpi sge, %add3A_246, %ge3A_285 : i32
      %lt3A_287 = arith.constant 100 : i32
      %lt3A_288 = arith.cmpi slt, %sub3A_284, %lt3A_287 : i32
      %and3A_289 = arith.andi %ge3A_286, %lt3A_288 : i1
      %convert_element_type3A_290 = arith.extui %and3A_289 : i1 to i32
      %cond3A_291 = arith.constant 0 : i32
      %cond3A_292 = arith.cmpi ne, %convert_element_type3A_290, %cond3A_291 : i32
      scf.if %cond3A_292 {
        %sub3A_343 = arith.constant 1 : i32
        %sub3A_344 = arith.subi %add3A_246, %sub3A_343 : i32
        %dma_wait3A_345 = arith.constant 1 : i32
        %dma_wait3A_346 = arith.constant 1 : i32
        %dma_wait3A_347 = arith.constant 0 : i32
        %dma_wait3A_348 = arith.constant 0 : i32
        %dma_wait3A_349 = tpu.memref_slice %arg6[%dma_wait3A_345, %dma_wait3A_347, %dma_wait3A_348] : memref<4x128x128xf32, #tpu.memory_space<vmem>> -> memref<1x128x128xf32, #tpu.memory_space<vmem>>
        %dma_wait3A_350 = tpu.memref_squeeze %dma_wait3A_349 : memref<1x128x128xf32, #tpu.memory_space<vmem>> -> memref<128x128xf32, #tpu.memory_space<vmem>>
        %dma_wait3A_351 = arith.constant 0 : i32
        %dma_wait3A_352 = arith.constant 0 : i32
        %dma_wait3A_353 = tpu.memref_slice %arg4[%add3A, %sub3A_344, %dma_wait3A_351, %dma_wait3A_352] : memref<32x100x128x128xf32, #tpu.memory_space<hbm>> -> memref<1x1x128x128xf32, #tpu.memory_space<hbm>>
        %dma_wait3A_354 = tpu.memref_squeeze %dma_wait3A_353 : memref<1x1x128x128xf32, #tpu.memory_space<hbm>> -> memref<128x128xf32, #tpu.memory_space<hbm>>
        %dma_wait3A_355 = tpu.memref_slice %arg8[%dma_wait3A_346] : memref<4x!tpu.dma_semaphore, #tpu.memory_space<semaphore_mem>> -> memref<1x!tpu.dma_semaphore, #tpu.memory_space<semaphore_mem>>
        %dma_wait3A_356 = tpu.memref_squeeze %dma_wait3A_355 : memref<1x!tpu.dma_semaphore, #tpu.memory_space<semaphore_mem>> -> memref<!tpu.dma_semaphore, #tpu.memory_space<semaphore_mem>>
        %dma_wait3A_357 = arith.constant 0 : i32
        %dma_wait3A_358 = arith.constant 0 : i32
        %dma_wait3A_359 = tpu.memref_slice %arg4[%add3A, %sub3A_344, %dma_wait3A_357, %dma_wait3A_358] : memref<32x100x128x128xf32, #tpu.memory_space<hbm>> -> memref<1x1x128x128xf32, #tpu.memory_space<hbm>>
        %dma_wait3A_360 = tpu.memref_squeeze %dma_wait3A_359 : memref<1x1x128x128xf32, #tpu.memory_space<hbm>> -> memref<128x128xf32, #tpu.memory_space<hbm>>
        %dma_wait3A_361 = arith.constant 0 : i32
        %dma_wait3A_362 = arith.constant 0 : i32
        %dma_wait3A_363 = tpu.memref_slice %arg6[%dma_wait3A_345, %dma_wait3A_361, %dma_wait3A_362] : memref<4x128x128xf32, #tpu.memory_space<vmem>> -> memref<1x128x128xf32, #tpu.memory_space<vmem>>
        %dma_wait3A_364 = tpu.memref_squeeze %dma_wait3A_363 : memref<1x128x128xf32, #tpu.memory_space<vmem>> -> memref<128x128xf32, #tpu.memory_space<vmem>>
        tpu.wait_dma2 semaphore(%dma_wait3A_356 : memref<!tpu.dma_semaphore, #tpu.memory_space<semaphore_mem>>) src(%dma_wait3A_364 : memref<128x128xf32, #tpu.memory_space<vmem>>) dst(%dma_wait3A_360 : memref<128x128xf32, #tpu.memory_space<hbm>>)
        %dma_start3A_365 = arith.constant 1 : i32
        %dma_start3A_366 = arith.constant 1 : i32
        %dma_start3A_367 = arith.constant 0 : i32
        %dma_start3A_368 = arith.constant 0 : i32
        %dma_start3A_369 = tpu.memref_slice %arg6[%dma_start3A_365, %dma_start3A_367, %dma_start3A_368] : memref<4x128x128xf32, #tpu.memory_space<vmem>> -> memref<1x128x128xf32, #tpu.memory_space<vmem>>
        %dma_start3A_370 = tpu.memref_squeeze %dma_start3A_369 : memref<1x128x128xf32, #tpu.memory_space<vmem>> -> memref<128x128xf32, #tpu.memory_space<vmem>>
        %dma_start3A_371 = arith.constant 0 : i32
        %dma_start3A_372 = tpu.memref_slice %arg5[%sub3A_284, %dma_start3A_371] : memref<100x128xi32, #tpu.memory_space<vmem>> -> memref<1x128xi32, #tpu.memory_space<vmem>>
        %dma_start3A_373 = tpu.memref_squeeze %dma_start3A_372 : memref<1x128xi32, #tpu.memory_space<vmem>> -> memref<128xi32, #tpu.memory_space<vmem>>
        %dma_start3A_374 = arith.constant 0 : i32
        %dma_start3A_375 = arith.constant 0 : i32
        %dma_start3A_376 = tpu.memref_slice %arg3[%dma_start3A_374, %dma_start3A_375] : memref<1000x128xf32, #tpu.memory_space<hbm>> -> memref<1000x128xf32, #tpu.memory_space<hbm>>
        %dma_start3A_377 = tpu.memref_slice %arg7[%dma_start3A_366] : memref<4x!tpu.dma_semaphore, #tpu.memory_space<semaphore_mem>> -> memref<1x!tpu.dma_semaphore, #tpu.memory_space<semaphore_mem>>
        %dma_start3A_378 = tpu.memref_squeeze %dma_start3A_377 : memref<1x!tpu.dma_semaphore, #tpu.memory_space<semaphore_mem>> -> memref<!tpu.dma_semaphore, #tpu.memory_space<semaphore_mem>>
        tpu.enqueue_indirect_dma source(%dma_start3A_376 : memref<1000x128xf32, #tpu.memory_space<hbm>>) target(%dma_start3A_370 : memref<128x128xf32, #tpu.memory_space<vmem>>) offsets(%dma_start3A_373 : memref<128xi32, #tpu.memory_space<vmem>>) semaphore(%dma_start3A_378 : memref<!tpu.dma_semaphore, #tpu.memory_space<semaphore_mem>>)
      } else {
      }
      %mul3A_293 = arith.constant 4 : i32
      %mul3A_294 = arith.muli %scan3A_148, %mul3A_293 : i32
      %add3A_295 = arith.constant 3 : i32
      %add3A_296 = arith.addi %mul3A_294, %add3A_295 : i32
      %dma_wait3A_297 = arith.constant 3 : i32
      %dma_wait3A_298 = arith.constant 3 : i32
      %dma_wait3A_299 = arith.constant 0 : i32
      %dma_wait3A_300 = arith.constant 0 : i32
      %dma_wait3A_301 = tpu.memref_slice %arg6[%dma_wait3A_297, %dma_wait3A_299, %dma_wait3A_300] : memref<4x128x128xf32, #tpu.memory_space<vmem>> -> memref<1x128x128xf32, #tpu.memory_space<vmem>>
      %dma_wait3A_302 = tpu.memref_squeeze %dma_wait3A_301 : memref<1x128x128xf32, #tpu.memory_space<vmem>> -> memref<128x128xf32, #tpu.memory_space<vmem>>
      %dma_wait3A_303 = arith.constant 0 : i32
      %dma_wait3A_304 = tpu.memref_slice %arg5[%add3A_296, %dma_wait3A_303] : memref<100x128xi32, #tpu.memory_space<vmem>> -> memref<1x128xi32, #tpu.memory_space<vmem>>
      %dma_wait3A_305 = tpu.memref_squeeze %dma_wait3A_304 : memref<1x128xi32, #tpu.memory_space<vmem>> -> memref<128xi32, #tpu.memory_space<vmem>>
      %dma_wait3A_306 = arith.constant 0 : i32
      %dma_wait3A_307 = arith.constant 0 : i32
      %dma_wait3A_308 = tpu.memref_slice %arg3[%dma_wait3A_306, %dma_wait3A_307] : memref<1000x128xf32, #tpu.memory_space<hbm>> -> memref<1000x128xf32, #tpu.memory_space<hbm>>
      %dma_wait3A_309 = tpu.memref_slice %arg7[%dma_wait3A_298] : memref<4x!tpu.dma_semaphore, #tpu.memory_space<semaphore_mem>> -> memref<1x!tpu.dma_semaphore, #tpu.memory_space<semaphore_mem>>
      %dma_wait3A_310 = tpu.memref_squeeze %dma_wait3A_309 : memref<1x!tpu.dma_semaphore, #tpu.memory_space<semaphore_mem>> -> memref<!tpu.dma_semaphore, #tpu.memory_space<semaphore_mem>>
      tpu.wait_indirect_dma semaphore(%dma_wait3A_310 : memref<!tpu.dma_semaphore, #tpu.memory_space<semaphore_mem>>) src(%dma_wait3A_308 : memref<1000x128xf32, #tpu.memory_space<hbm>>) dst(%dma_wait3A_302 : memref<128x128xf32, #tpu.memory_space<vmem>>)
      %dma_start3A_311 = arith.constant 3 : i32
      %dma_start3A_312 = arith.constant 3 : i32
      %dma_start3A_313 = arith.constant 0 : i32
      %dma_start3A_314 = arith.constant 0 : i32
      %dma_start3A_315 = tpu.memref_slice %arg6[%dma_start3A_311, %dma_start3A_313, %dma_start3A_314] : memref<4x128x128xf32, #tpu.memory_space<vmem>> -> memref<1x128x128xf32, #tpu.memory_space<vmem>>
      %dma_start3A_316 = tpu.memref_squeeze %dma_start3A_315 : memref<1x128x128xf32, #tpu.memory_space<vmem>> -> memref<128x128xf32, #tpu.memory_space<vmem>>
      %dma_start3A_317 = arith.constant 0 : i32
      %dma_start3A_318 = arith.constant 0 : i32
      %dma_start3A_319 = tpu.memref_slice %arg4[%add3A, %add3A_296, %dma_start3A_317, %dma_start3A_318] : memref<32x100x128x128xf32, #tpu.memory_space<hbm>> -> memref<1x1x128x128xf32, #tpu.memory_space<hbm>>
      %dma_start3A_320 = tpu.memref_squeeze %dma_start3A_319 : memref<1x1x128x128xf32, #tpu.memory_space<hbm>> -> memref<128x128xf32, #tpu.memory_space<hbm>>
      %dma_start3A_321 = tpu.memref_slice %arg8[%dma_start3A_312] : memref<4x!tpu.dma_semaphore, #tpu.memory_space<semaphore_mem>> -> memref<1x!tpu.dma_semaphore, #tpu.memory_space<semaphore_mem>>
      %dma_start3A_322 = tpu.memref_squeeze %dma_start3A_321 : memref<1x!tpu.dma_semaphore, #tpu.memory_space<semaphore_mem>> -> memref<!tpu.dma_semaphore, #tpu.memory_space<semaphore_mem>>
      %dma_start3A_323 = arith.constant 0 : i32
      %dma_start3A_324 = arith.constant 0 : i32
      %dma_start3A_325 = tpu.memref_slice %arg4[%add3A, %add3A_296, %dma_start3A_323, %dma_start3A_324] : memref<32x100x128x128xf32, #tpu.memory_space<hbm>> -> memref<1x1x128x128xf32, #tpu.memory_space<hbm>>
      %dma_start3A_326 = tpu.memref_squeeze %dma_start3A_325 : memref<1x1x128x128xf32, #tpu.memory_space<hbm>> -> memref<128x128xf32, #tpu.memory_space<hbm>>
      %dma_start3A_327 = arith.constant 0 : i32
      %dma_start3A_328 = arith.constant 0 : i32
      %dma_start3A_329 = tpu.memref_slice %arg6[%dma_start3A_311, %dma_start3A_327, %dma_start3A_328] : memref<4x128x128xf32, #tpu.memory_space<vmem>> -> memref<1x128x128xf32, #tpu.memory_space<vmem>>
      %dma_start3A_330 = tpu.memref_squeeze %dma_start3A_329 : memref<1x128x128xf32, #tpu.memory_space<vmem>> -> memref<128x128xf32, #tpu.memory_space<vmem>>
      tpu.enqueue_dma source(%dma_start3A_330 : memref<128x128xf32, #tpu.memory_space<vmem>>) target(%dma_start3A_326 : memref<128x128xf32, #tpu.memory_space<hbm>>) target_semaphore(%dma_start3A_322 : memref<!tpu.dma_semaphore, #tpu.memory_space<semaphore_mem>>)
      %add3A_331 = arith.constant 4 : i32
      %add3A_332 = arith.addi %add3A_296, %add3A_331 : i32
      %sub3A_333 = arith.constant 1 : i32
      %sub3A_334 = arith.subi %add3A_332, %sub3A_333 : i32
      %ge3A_335 = arith.constant 1 : i32
      %ge3A_336 = arith.cmpi sge, %add3A_296, %ge3A_335 : i32
      %lt3A_337 = arith.constant 100 : i32
      %lt3A_338 = arith.cmpi slt, %sub3A_334, %lt3A_337 : i32
      %and3A_339 = arith.andi %ge3A_336, %lt3A_338 : i1
      %convert_element_type3A_340 = arith.extui %and3A_339 : i1 to i32
      %cond3A_341 = arith.constant 0 : i32
      %cond3A_342 = arith.cmpi ne, %convert_element_type3A_340, %cond3A_341 : i32
      scf.if %cond3A_342 {
        %sub3A_343 = arith.constant 1 : i32
        %sub3A_344 = arith.subi %add3A_296, %sub3A_343 : i32
        %dma_wait3A_345 = arith.constant 2 : i32
        %dma_wait3A_346 = arith.constant 2 : i32
        %dma_wait3A_347 = arith.constant 0 : i32
        %dma_wait3A_348 = arith.constant 0 : i32
        %dma_wait3A_349 = tpu.memref_slice %arg6[%dma_wait3A_345, %dma_wait3A_347, %dma_wait3A_348] : memref<4x128x128xf32, #tpu.memory_space<vmem>> -> memref<1x128x128xf32, #tpu.memory_space<vmem>>
        %dma_wait3A_350 = tpu.memref_squeeze %dma_wait3A_349 : memref<1x128x128xf32, #tpu.memory_space<vmem>> -> memref<128x128xf32, #tpu.memory_space<vmem>>
        %dma_wait3A_351 = arith.constant 0 : i32
        %dma_wait3A_352 = arith.constant 0 : i32
        %dma_wait3A_353 = tpu.memref_slice %arg4[%add3A, %sub3A_344, %dma_wait3A_351, %dma_wait3A_352] : memref<32x100x128x128xf32, #tpu.memory_space<hbm>> -> memref<1x1x128x128xf32, #tpu.memory_space<hbm>>
        %dma_wait3A_354 = tpu.memref_squeeze %dma_wait3A_353 : memref<1x1x128x128xf32, #tpu.memory_space<hbm>> -> memref<128x128xf32, #tpu.memory_space<hbm>>
        %dma_wait3A_355 = tpu.memref_slice %arg8[%dma_wait3A_346] : memref<4x!tpu.dma_semaphore, #tpu.memory_space<semaphore_mem>> -> memref<1x!tpu.dma_semaphore, #tpu.memory_space<semaphore_mem>>
        %dma_wait3A_356 = tpu.memref_squeeze %dma_wait3A_355 : memref<1x!tpu.dma_semaphore, #tpu.memory_space<semaphore_mem>> -> memref<!tpu.dma_semaphore, #tpu.memory_space<semaphore_mem>>
        %dma_wait3A_357 = arith.constant 0 : i32
        %dma_wait3A_358 = arith.constant 0 : i32
        %dma_wait3A_359 = tpu.memref_slice %arg4[%add3A, %sub3A_344, %dma_wait3A_357, %dma_wait3A_358] : memref<32x100x128x128xf32, #tpu.memory_space<hbm>> -> memref<1x1x128x128xf32, #tpu.memory_space<hbm>>
        %dma_wait3A_360 = tpu.memref_squeeze %dma_wait3A_359 : memref<1x1x128x128xf32, #tpu.memory_space<hbm>> -> memref<128x128xf32, #tpu.memory_space<hbm>>
        %dma_wait3A_361 = arith.constant 0 : i32
        %dma_wait3A_362 = arith.constant 0 : i32
        %dma_wait3A_363 = tpu.memref_slice %arg6[%dma_wait3A_345, %dma_wait3A_361, %dma_wait3A_362] : memref<4x128x128xf32, #tpu.memory_space<vmem>> -> memref<1x128x128xf32, #tpu.memory_space<vmem>>
        %dma_wait3A_364 = tpu.memref_squeeze %dma_wait3A_363 : memref<1x128x128xf32, #tpu.memory_space<vmem>> -> memref<128x128xf32, #tpu.memory_space<vmem>>
        tpu.wait_dma2 semaphore(%dma_wait3A_356 : memref<!tpu.dma_semaphore, #tpu.memory_space<semaphore_mem>>) src(%dma_wait3A_364 : memref<128x128xf32, #tpu.memory_space<vmem>>) dst(%dma_wait3A_360 : memref<128x128xf32, #tpu.memory_space<hbm>>)
        %dma_start3A_365 = arith.constant 2 : i32
        %dma_start3A_366 = arith.constant 2 : i32
        %dma_start3A_367 = arith.constant 0 : i32
        %dma_start3A_368 = arith.constant 0 : i32
        %dma_start3A_369 = tpu.memref_slice %arg6[%dma_start3A_365, %dma_start3A_367, %dma_start3A_368] : memref<4x128x128xf32, #tpu.memory_space<vmem>> -> memref<1x128x128xf32, #tpu.memory_space<vmem>>
        %dma_start3A_370 = tpu.memref_squeeze %dma_start3A_369 : memref<1x128x128xf32, #tpu.memory_space<vmem>> -> memref<128x128xf32, #tpu.memory_space<vmem>>
        %dma_start3A_371 = arith.constant 0 : i32
        %dma_start3A_372 = tpu.memref_slice %arg5[%sub3A_334, %dma_start3A_371] : memref<100x128xi32, #tpu.memory_space<vmem>> -> memref<1x128xi32, #tpu.memory_space<vmem>>
        %dma_start3A_373 = tpu.memref_squeeze %dma_start3A_372 : memref<1x128xi32, #tpu.memory_space<vmem>> -> memref<128xi32, #tpu.memory_space<vmem>>
        %dma_start3A_374 = arith.constant 0 : i32
        %dma_start3A_375 = arith.constant 0 : i32
        %dma_start3A_376 = tpu.memref_slice %arg3[%dma_start3A_374, %dma_start3A_375] : memref<1000x128xf32, #tpu.memory_space<hbm>> -> memref<1000x128xf32, #tpu.memory_space<hbm>>
        %dma_start3A_377 = tpu.memref_slice %arg7[%dma_start3A_366] : memref<4x!tpu.dma_semaphore, #tpu.memory_space<semaphore_mem>> -> memref<1x!tpu.dma_semaphore, #tpu.memory_space<semaphore_mem>>
        %dma_start3A_378 = tpu.memref_squeeze %dma_start3A_377 : memref<1x!tpu.dma_semaphore, #tpu.memory_space<semaphore_mem>> -> memref<!tpu.dma_semaphore, #tpu.memory_space<semaphore_mem>>
        tpu.enqueue_indirect_dma source(%dma_start3A_376 : memref<1000x128xf32, #tpu.memory_space<hbm>>) target(%dma_start3A_370 : memref<128x128xf32, #tpu.memory_space<vmem>>) offsets(%dma_start3A_373 : memref<128xi32, #tpu.memory_space<vmem>>) semaphore(%dma_start3A_378 : memref<!tpu.dma_semaphore, #tpu.memory_space<semaphore_mem>>)
      } else {
      }
    }
    %scan3A_64 = arith.constant 25 : i32
    %dma_wait3A = arith.constant 0 : i32
    %dma_wait3A_65 = arith.constant 96 : i32
    %dma_wait3A_66 = arith.constant 0 : i32
    %dma_wait3A_67 = arith.constant 0 : i32
    %dma_wait3A_68 = arith.constant 0 : i32
    %dma_wait3A_69 = tpu.memref_slice %arg6[%dma_wait3A, %dma_wait3A_67, %dma_wait3A_68] : memref<4x128x128xf32, #tpu.memory_space<vmem>> -> memref<1x128x128xf32, #tpu.memory_space<vmem>>
    %dma_wait3A_70 = tpu.memref_squeeze %dma_wait3A_69 : memref<1x128x128xf32, #tpu.memory_space<vmem>> -> memref<128x128xf32, #tpu.memory_space<vmem>>
    %dma_wait3A_71 = arith.constant 0 : i32
    %dma_wait3A_72 = arith.constant 0 : i32
    %dma_wait3A_73 = tpu.memref_slice %arg4[%add3A, %dma_wait3A_65, %dma_wait3A_71, %dma_wait3A_72] : memref<32x100x128x128xf32, #tpu.memory_space<hbm>> -> memref<1x1x128x128xf32, #tpu.memory_space<hbm>>
    %dma_wait3A_74 = tpu.memref_squeeze %dma_wait3A_73 : memref<1x1x128x128xf32, #tpu.memory_space<hbm>> -> memref<128x128xf32, #tpu.memory_space<hbm>>
    %dma_wait3A_75 = tpu.memref_slice %arg8[%dma_wait3A_66] : memref<4x!tpu.dma_semaphore, #tpu.memory_space<semaphore_mem>> -> memref<1x!tpu.dma_semaphore, #tpu.memory_space<semaphore_mem>>
    %dma_wait3A_76 = tpu.memref_squeeze %dma_wait3A_75 : memref<1x!tpu.dma_semaphore, #tpu.memory_space<semaphore_mem>> -> memref<!tpu.dma_semaphore, #tpu.memory_space<semaphore_mem>>
    %dma_wait3A_77 = arith.constant 0 : i32
    %dma_wait3A_78 = arith.constant 0 : i32
    %dma_wait3A_79 = tpu.memref_slice %arg4[%add3A, %dma_wait3A_65, %dma_wait3A_77, %dma_wait3A_78] : memref<32x100x128x128xf32, #tpu.memory_space<hbm>> -> memref<1x1x128x128xf32, #tpu.memory_space<hbm>>
    %dma_wait3A_80 = tpu.memref_squeeze %dma_wait3A_79 : memref<1x1x128x128xf32, #tpu.memory_space<hbm>> -> memref<128x128xf32, #tpu.memory_space<hbm>>
    %dma_wait3A_81 = arith.constant 0 : i32
    %dma_wait3A_82 = arith.constant 0 : i32
    %dma_wait3A_83 = tpu.memref_slice %arg6[%dma_wait3A, %dma_wait3A_81, %dma_wait3A_82] : memref<4x128x128xf32, #tpu.memory_space<vmem>> -> memref<1x128x128xf32, #tpu.memory_space<vmem>>
    %dma_wait3A_84 = tpu.memref_squeeze %dma_wait3A_83 : memref<1x128x128xf32, #tpu.memory_space<vmem>> -> memref<128x128xf32, #tpu.memory_space<vmem>>
    tpu.wait_dma2 semaphore(%dma_wait3A_76 : memref<!tpu.dma_semaphore, #tpu.memory_space<semaphore_mem>>) src(%dma_wait3A_84 : memref<128x128xf32, #tpu.memory_space<vmem>>) dst(%dma_wait3A_80 : memref<128x128xf32, #tpu.memory_space<hbm>>)
    %dma_wait3A_85 = arith.constant 1 : i32
    %dma_wait3A_86 = arith.constant 97 : i32
    %dma_wait3A_87 = arith.constant 1 : i32
    %dma_wait3A_88 = arith.constant 0 : i32
    %dma_wait3A_89 = arith.constant 0 : i32
    %dma_wait3A_90 = tpu.memref_slice %arg6[%dma_wait3A_85, %dma_wait3A_88, %dma_wait3A_89] : memref<4x128x128xf32, #tpu.memory_space<vmem>> -> memref<1x128x128xf32, #tpu.memory_space<vmem>>
    %dma_wait3A_91 = tpu.memref_squeeze %dma_wait3A_90 : memref<1x128x128xf32, #tpu.memory_space<vmem>> -> memref<128x128xf32, #tpu.memory_space<vmem>>
    %dma_wait3A_92 = arith.constant 0 : i32
    %dma_wait3A_93 = arith.constant 0 : i32
    %dma_wait3A_94 = tpu.memref_slice %arg4[%add3A, %dma_wait3A_86, %dma_wait3A_92, %dma_wait3A_93] : memref<32x100x128x128xf32, #tpu.memory_space<hbm>> -> memref<1x1x128x128xf32, #tpu.memory_space<hbm>>
    %dma_wait3A_95 = tpu.memref_squeeze %dma_wait3A_94 : memref<1x1x128x128xf32, #tpu.memory_space<hbm>> -> memref<128x128xf32, #tpu.memory_space<hbm>>
    %dma_wait3A_96 = tpu.memref_slice %arg8[%dma_wait3A_87] : memref<4x!tpu.dma_semaphore, #tpu.memory_space<semaphore_mem>> -> memref<1x!tpu.dma_semaphore, #tpu.memory_space<semaphore_mem>>
    %dma_wait3A_97 = tpu.memref_squeeze %dma_wait3A_96 : memref<1x!tpu.dma_semaphore, #tpu.memory_space<semaphore_mem>> -> memref<!tpu.dma_semaphore, #tpu.memory_space<semaphore_mem>>
    %dma_wait3A_98 = arith.constant 0 : i32
    %dma_wait3A_99 = arith.constant 0 : i32
    %dma_wait3A_100 = tpu.memref_slice %arg4[%add3A, %dma_wait3A_86, %dma_wait3A_98, %dma_wait3A_99] : memref<32x100x128x128xf32, #tpu.memory_space<hbm>> -> memref<1x1x128x128xf32, #tpu.memory_space<hbm>>
    %dma_wait3A_101 = tpu.memref_squeeze %dma_wait3A_100 : memref<1x1x128x128xf32, #tpu.memory_space<hbm>> -> memref<128x128xf32, #tpu.memory_space<hbm>>
    %dma_wait3A_102 = arith.constant 0 : i32
    %dma_wait3A_103 = arith.constant 0 : i32
    %dma_wait3A_104 = tpu.memref_slice %arg6[%dma_wait3A_85, %dma_wait3A_102, %dma_wait3A_103] : memref<4x128x128xf32, #tpu.memory_space<vmem>> -> memref<1x128x128xf32, #tpu.memory_space<vmem>>
    %dma_wait3A_105 = tpu.memref_squeeze %dma_wait3A_104 : memref<1x128x128xf32, #tpu.memory_space<vmem>> -> memref<128x128xf32, #tpu.memory_space<vmem>>
    tpu.wait_dma2 semaphore(%dma_wait3A_97 : memref<!tpu.dma_semaphore, #tpu.memory_space<semaphore_mem>>) src(%dma_wait3A_105 : memref<128x128xf32, #tpu.memory_space<vmem>>) dst(%dma_wait3A_101 : memref<128x128xf32, #tpu.memory_space<hbm>>)
    %dma_wait3A_106 = arith.constant 2 : i32
    %dma_wait3A_107 = arith.constant 98 : i32
    %dma_wait3A_108 = arith.constant 2 : i32
    %dma_wait3A_109 = arith.constant 0 : i32
    %dma_wait3A_110 = arith.constant 0 : i32
    %dma_wait3A_111 = tpu.memref_slice %arg6[%dma_wait3A_106, %dma_wait3A_109, %dma_wait3A_110] : memref<4x128x128xf32, #tpu.memory_space<vmem>> -> memref<1x128x128xf32, #tpu.memory_space<vmem>>
    %dma_wait3A_112 = tpu.memref_squeeze %dma_wait3A_111 : memref<1x128x128xf32, #tpu.memory_space<vmem>> -> memref<128x128xf32, #tpu.memory_space<vmem>>
    %dma_wait3A_113 = arith.constant 0 : i32
    %dma_wait3A_114 = arith.constant 0 : i32
    %dma_wait3A_115 = tpu.memref_slice %arg4[%add3A, %dma_wait3A_107, %dma_wait3A_113, %dma_wait3A_114] : memref<32x100x128x128xf32, #tpu.memory_space<hbm>> -> memref<1x1x128x128xf32, #tpu.memory_space<hbm>>
    %dma_wait3A_116 = tpu.memref_squeeze %dma_wait3A_115 : memref<1x1x128x128xf32, #tpu.memory_space<hbm>> -> memref<128x128xf32, #tpu.memory_space<hbm>>
    %dma_wait3A_117 = tpu.memref_slice %arg8[%dma_wait3A_108] : memref<4x!tpu.dma_semaphore, #tpu.memory_space<semaphore_mem>> -> memref<1x!tpu.dma_semaphore, #tpu.memory_space<semaphore_mem>>
    %dma_wait3A_118 = tpu.memref_squeeze %dma_wait3A_117 : memref<1x!tpu.dma_semaphore, #tpu.memory_space<semaphore_mem>> -> memref<!tpu.dma_semaphore, #tpu.memory_space<semaphore_mem>>
    %dma_wait3A_119 = arith.constant 0 : i32
    %dma_wait3A_120 = arith.constant 0 : i32
    %dma_wait3A_121 = tpu.memref_slice %arg4[%add3A, %dma_wait3A_107, %dma_wait3A_119, %dma_wait3A_120] : memref<32x100x128x128xf32, #tpu.memory_space<hbm>> -> memref<1x1x128x128xf32, #tpu.memory_space<hbm>>
    %dma_wait3A_122 = tpu.memref_squeeze %dma_wait3A_121 : memref<1x1x128x128xf32, #tpu.memory_space<hbm>> -> memref<128x128xf32, #tpu.memory_space<hbm>>
    %dma_wait3A_123 = arith.constant 0 : i32
    %dma_wait3A_124 = arith.constant 0 : i32
    %dma_wait3A_125 = tpu.memref_slice %arg6[%dma_wait3A_106, %dma_wait3A_123, %dma_wait3A_124] : memref<4x128x128xf32, #tpu.memory_space<vmem>> -> memref<1x128x128xf32, #tpu.memory_space<vmem>>
    %dma_wait3A_126 = tpu.memref_squeeze %dma_wait3A_125 : memref<1x128x128xf32, #tpu.memory_space<vmem>> -> memref<128x128xf32, #tpu.memory_space<vmem>>
    tpu.wait_dma2 semaphore(%dma_wait3A_118 : memref<!tpu.dma_semaphore, #tpu.memory_space<semaphore_mem>>) src(%dma_wait3A_126 : memref<128x128xf32, #tpu.memory_space<vmem>>) dst(%dma_wait3A_122 : memref<128x128xf32, #tpu.memory_space<hbm>>)
    %dma_wait3A_127 = arith.constant 3 : i32
    %dma_wait3A_128 = arith.constant 99 : i32
    %dma_wait3A_129 = arith.constant 3 : i32
    %dma_wait3A_130 = arith.constant 0 : i32
    %dma_wait3A_131 = arith.constant 0 : i32
    %dma_wait3A_132 = tpu.memref_slice %arg6[%dma_wait3A_127, %dma_wait3A_130, %dma_wait3A_131] : memref<4x128x128xf32, #tpu.memory_space<vmem>> -> memref<1x128x128xf32, #tpu.memory_space<vmem>>
    %dma_wait3A_133 = tpu.memref_squeeze %dma_wait3A_132 : memref<1x128x128xf32, #tpu.memory_space<vmem>> -> memref<128x128xf32, #tpu.memory_space<vmem>>
    %dma_wait3A_134 = arith.constant 0 : i32
    %dma_wait3A_135 = arith.constant 0 : i32
    %dma_wait3A_136 = tpu.memref_slice %arg4[%add3A, %dma_wait3A_128, %dma_wait3A_134, %dma_wait3A_135] : memref<32x100x128x128xf32, #tpu.memory_space<hbm>> -> memref<1x1x128x128xf32, #tpu.memory_space<hbm>>
    %dma_wait3A_137 = tpu.memref_squeeze %dma_wait3A_136 : memref<1x1x128x128xf32, #tpu.memory_space<hbm>> -> memref<128x128xf32, #tpu.memory_space<hbm>>
    %dma_wait3A_138 = tpu.memref_slice %arg8[%dma_wait3A_129] : memref<4x!tpu.dma_semaphore, #tpu.memory_space<semaphore_mem>> -> memref<1x!tpu.dma_semaphore, #tpu.memory_space<semaphore_mem>>
    %dma_wait3A_139 = tpu.memref_squeeze %dma_wait3A_138 : memref<1x!tpu.dma_semaphore, #tpu.memory_space<semaphore_mem>> -> memref<!tpu.dma_semaphore, #tpu.memory_space<semaphore_mem>>
    %dma_wait3A_140 = arith.constant 0 : i32
    %dma_wait3A_141 = arith.constant 0 : i32
    %dma_wait3A_142 = tpu.memref_slice %arg4[%add3A, %dma_wait3A_128, %dma_wait3A_140, %dma_wait3A_141] : memref<32x100x128x128xf32, #tpu.memory_space<hbm>> -> memref<1x1x128x128xf32, #tpu.memory_space<hbm>>
    %dma_wait3A_143 = tpu.memref_squeeze %dma_wait3A_142 : memref<1x1x128x128xf32, #tpu.memory_space<hbm>> -> memref<128x128xf32, #tpu.memory_space<hbm>>
    %dma_wait3A_144 = arith.constant 0 : i32
    %dma_wait3A_145 = arith.constant 0 : i32
    %dma_wait3A_146 = tpu.memref_slice %arg6[%dma_wait3A_127, %dma_wait3A_144, %dma_wait3A_145] : memref<4x128x128xf32, #tpu.memory_space<vmem>> -> memref<1x128x128xf32, #tpu.memory_space<vmem>>
    %dma_wait3A_147 = tpu.memref_squeeze %dma_wait3A_146 : memref<1x128x128xf32, #tpu.memory_space<vmem>> -> memref<128x128xf32, #tpu.memory_space<vmem>>
    tpu.wait_dma2 semaphore(%dma_wait3A_139 : memref<!tpu.dma_semaphore, #tpu.memory_space<semaphore_mem>>) src(%dma_wait3A_147 : memref<128x128xf32, #tpu.memory_space<vmem>>) dst(%dma_wait3A_143 : memref<128x128xf32, #tpu.memory_space<hbm>>)
    return
  }
}

</mosaic_0001>

<sc_bundles>
// kernel: kernel.3.cloned.1.call-start
scs
__scs_entry_jumppad:
0x0: {  	(pc) =	sbr.rel $0x88, $3  }
0x1: {  	(tag) =	ssettag $0x0;
	lr =	simm.s32 $0x1  }
0x2: {  	[smem:$0x3F9F] =	sst lr;
	_ =	strace $0xD0000000  }
0x3: {  	_ = 	snop  }
0x4: {  	_ = 	snop  }
0x5: {  	_ = 	snop  }
0x6: {  	_ = 	snop  }
0x7: {  	_ = 	snop  }
__scs_overlays_trampoline_lowered:
0x8: {  	[smem:$0x3FAE] =	sst s0  }
0x9: {  	[smem:$0x3FAF] =	sst s1  }
0xa: {  	[smem:$0x3FB0] =	sst s2  }
0xb: {  	[smem:$0x3FB1] =	sst s3  }
0xc: {  	[smem:$0x3FB2] =	sst s4  }
0xd: {  	[smem:$0x3FB3] =	sst s5  }
0xe: {  	[smem:$0x3FB4] =	sst s6  }
0xf: {  	[smem:$0x3FB5] =	sst s7  }
0x10: {  	[smem:$0x3FB6] =	sst s8  }
0x11: {  	[smem:$0x3FB7] =	sst s9;
	s0 =	simm.s32 @!p0 $0x0  }
0x12: {  	s1 =	sld [smem:$0x3F9D];
	s0 =	simm.s32 @p0 $0x1  }
0x13: {  	[smem:$0x3FB8] =	sst s0;
	s0 =	simm.s32 @!p1 $0x0  }
0x14: {  	s2 =	sld [smem:$0x3F9C];
	s0 =	simm.s32 @p1 $0x1  }
0x15: {  	[smem:$0x3FB9] =	sst s0;
	s0 =	simm.s32 @!p2 $0x0  }
0x16: {  	s3 =	sld [smem:$0x3FDB];
	s0 =	simm.s32 @p2 $0x1  }
0x17: {  	s4 =	simm.s32 $0x1BF5;
	[smem:$0x3FBB] =	sst s0  }
0x18: {  	s0 =	sld [smem:$0x3F9E];
	_ =	swait.ge [sflag:s4], $0x0  }
0x19: {  	s7 =	sld [smem:$0x3F9F]  }
0x1a: {  	s8 =	sadd.s32 $0xFFFFE003, lr  }
0x1b: {  	s9 =	sadd.s32 $0xFFFFFEF7, lr;
	s5 =	simm.s32 $0xFFFFFFFF;
	p2 =	slt.u32 s8, $0xFFFFF086  }
0x1c: {  	p1 =	slt.u32 s9, $0xF7A;
	s5 =	simm.s32 @!p2 $0x0  }
0x1d: {  	s5 =	simm.s32 @p1 $0x1;
	p0 =	seq.s32 s7, s2  }
0x1e: {  	s7 =	smul.u32 @!p0 $0xF7A, s2;
	p2 =	seq.s32 @!p0 s5, $0x0  }
0x1f: {  	s9 =	smul.u32 $0xF7A, s1;
	s8 =	simm.s32 @!p0 $0x1BF5;
	p2 =	por !p2, p0  }
0x20: {  	[sflag:s8] =	ssyncset.s32 @!p0 $0xFFFFF086;
	s6 =	sadd.s32 @!p0 s3, s7;
	s7 =	simm.s32 @!p0 $0x108  }
0x21: {  	s3 =	sadd.s32 s3, s9;
	s6 =	sadd.s32 @!p0 $0x88, s6;
	s7 =	simm.s32 @p2 $0x1082  }
0x22: {  	[simem:s7], [sflag:s8] =	dma.local @!p0 [hbm:s6], $0xF7A  }
0x23: {  	s9 =	sor.u32 $0xD0000000, s2;
	s6 =	simm.s32 $0x108;
	_ =	swait.ge @!p0 [sflag:s8], $0x0  }
0x24: {  	s3 =	sadd.s32 $0x88, s3;
	s6 =	simm.s32 @!p1 $0x1082;
	[sflag:s4] =	ssyncset.s32 $0xFFFFF086  }
0x25: {  	[simem:s6], [sflag:s4] =	dma.local [hbm:s3], $0xF7A  }
0x26: {  	[smem:$0x3F9F] =	sst s1;
	(tag) =	ssettag s2;
	_ =	strace s9  }
0x27: {  	s1 =	sld [smem:$0x3FAF]  }
0x28: {  	s2 =	sld [smem:$0x3FB0]  }
0x29: {  	s4 =	sld [smem:$0x3FB2]  }
0x2a: {  	p0 =	seq.s32 s5, $0x0;
	s5 =	sld [smem:$0x3FB3]  }
0x2b: {  	s6 =	sld [smem:$0x3FB4]  }
0x2c: {  	s7 =	sld [smem:$0x3FB5]  }
0x2d: {  	s3 =	simm.s32 $0x108;
	s8 =	sld [smem:$0x3FB6]  }
0x2e: {  	s3 =	simm.s32 @!p0 $0x1082;
	s9 =	sld [smem:$0x3FB7]  }
0x2f: {  	lr =	sadd.s32 s0, s3;
	s0 =	sld [smem:$0x3FAE]  }
0x30: {  	s3 =	sld [smem:$0x3FB1]  }
0x31: {  	[smem:$0x3FBA] =	sst s10  }
0x32: {  	s10 =	sld [smem:$0x3FB8];
	_ =	sdelay $0x3  }
0x33: {  	p0 =	seq.s32 s10, $0x1;
	s10 =	sld [smem:$0x3FBA];
	_ =	sdelay $0x3  }
0x34: {  	[smem:$0x3FBA] =	sst s10  }
0x35: {  	s10 =	sld [smem:$0x3FB9];
	_ =	sdelay $0x3  }
0x36: {  	p1 =	seq.s32 s10, $0x1;
	s10 =	sld [smem:$0x3FBA];
	_ =	sdelay $0x3  }
0x37: {  	[smem:$0x3FBA] =	sst s10  }
0x38: {  	s10 =	sld [smem:$0x3FBB]  }
0x39: {  	_ = 	snop;
	(pc) =	sbr.ind lr, $3  }
0x3a: {  	_ = 	snop  }
0x3b: {  	_ = 	snop  }
0x3c: {  	p2 =	seq.s32 s10, $0x1;
	s10 =	sld [smem:$0x3FBA]  }
0x3d: {  	_ =	shalt  }
0x3e: {  	_ =	shalt  }
0x3f: {  	_ =	shalt  }
0x40: {  	_ =	shalt  }
0x41: {  	_ =	shalt  }
0x42: {  	_ =	shalt  }
0x43: {  	_ =	shalt  }
0x44: {  	_ =	shalt  }
0x45: {  	_ =	shalt  }
0x46: {  	_ =	shalt  }
0x47: {  	_ =	shalt  }
0x48: {  	_ =	shalt  }
0x49: {  	_ =	shalt  }
0x4a: {  	_ =	shalt  }
0x4b: {  	_ =	shalt  }
0x4c: {  	_ =	shalt  }
0x4d: {  	_ =	shalt  }
0x4e: {  	_ =	shalt  }
0x4f: {  	_ =	shalt  }
0x50: {  	_ =	shalt  }
0x51: {  	_ =	shalt  }
0x52: {  	_ =	shalt  }
0x53: {  	_ =	shalt  }
0x54: {  	_ =	shalt  }
0x55: {  	_ =	shalt  }
0x56: {  	_ =	shalt  }
0x57: {  	_ =	shalt  }
0x58: {  	_ =	shalt  }
0x59: {  	_ =	shalt  }
0x5a: {  	_ =	shalt  }
0x5b: {  	_ =	shalt  }
0x5c: {  	_ =	shalt  }
0x5d: {  	_ =	shalt  }
0x5e: {  	_ =	shalt  }
0x5f: {  	_ =	shalt  }
0x60: {  	_ =	shalt  }
0x61: {  	_ =	shalt  }
0x62: {  	_ =	shalt  }
0x63: {  	_ =	shalt  }
0x64: {  	_ =	shalt  }
0x65: {  	_ =	shalt  }
0x66: {  	_ =	shalt  }
0x67: {  	_ =	shalt  }
0x68: {  	_ =	shalt  }
0x69: {  	_ =	shalt  }
0x6a: {  	_ =	shalt  }
0x6b: {  	_ =	shalt  }
0x6c: {  	_ =	shalt  }
0x6d: {  	_ =	shalt  }
0x6e: {  	_ =	shalt  }
0x6f: {  	_ =	shalt  }
0x70: {  	_ =	shalt  }
0x71: {  	_ =	shalt  }
0x72: {  	_ =	shalt  }
0x73: {  	_ =	shalt  }
0x74: {  	_ =	shalt  }
0x75: {  	_ =	shalt  }
0x76: {  	_ =	shalt  }
0x77: {  	_ =	shalt  }
0x78: {  	_ =	shalt  }
0x79: {  	_ =	shalt  }
0x7a: {  	_ =	shalt  }
0x7b: {  	_ =	shalt  }
0x7c: {  	_ =	shalt  }
0x7d: {  	_ =	shalt  }
0x7e: {  	_ =	shalt  }
0x7f: {  	_ =	shalt  }
0x80: {  	_ =	shalt  }
0x81: {  	_ =	shalt  }
0x82: {  	_ =	shalt  }
0x83: {  	_ =	shalt  }
0x84: {  	_ =	shalt  }
0x85: {  	_ =	shalt  }
0x86: {  	_ =	shalt  }
0x87: {  	_ =	shalt  }
.Lfunc_end0:
.L_simem_size_0:
called_computation.1_lowered:
.L_overlay_start_0:
0x88: {  	s2 =	sld [smem:$0x3FD9]  }
0x89: {  	s3 =	sld [smem:$0x3FFE];
	_ =	sdelay $0x1  }
0x8a: {  	s1 =	srdreg.scid  }
0x8b: {  	s0 =	sand.u32 $0x1, s1  }
0x8c: {  	s17 =	sshll.u32 s0, $0xA;
	s2 =	sadd.s32 s3, s2  }
0x8d: {  	s2 =	sadd.s32 s2, s17  }
0x8e: {  	[smem:$0x3FC6] =	sst s2  }
0x8f: {  	_ = 	snop  }
0x90: {  	s2 =	sld [smem:$0x3FC8]  }
0x91: {  	s18 =	sld [smem:$0x3FD0];
	(tm) =	ssettm $0x1  }
0x92: {  	s4 =	sld [smem:$0x3FFB];
	_ =	sdelay $0x3  }
0x93: {  	_ =	strace s4  }
0x94: {  	s4 =	sld [smem:$0x3FFC];
	_ =	sdelay $0x3  }
0x95: {  	_ =	strace s4  }
0x96: {  	s4 =	sld [smem:$0x3FFD];
	_ =	sdelay $0x3  }
0x97: {  	_ =	strace s4  }
0x98: {  	_ =	strace $0x8FFFFFFF  }
0x99: {  	s19 =	sld [smem:$0x3FDB];
	_ =	sdelay $0x1  }
0x9a: {  	s5 =	simm.s32 $_scs_section_size  }
0x9b: {  	s6 =	simm.s32 $_size__tile_overlayer_lowered;
	s7 =	simm.s32 $_tile_overlayer_lowered  }
0x9c: {  	s22 =	simm.s32 $0x1BFF;
	s21 =	sshll.u32 s7, $0x1;
	s4 =	sadd.s32 s5, s19  }
0x9d: {  	s8 =	simm.s32 $0x0;
	s20 =	sshll.u32 s6, $0x1;
	s6 =	sadd.s32 s21, s4  }
0x9e: {  	[timem:s8], [sflag:s22] =	dma.local [hbm:s6], s20  }
0x9f: {  	_ =	swait.ge [sflag:s22], s20  }
0xa0: {  	s5 =	ssub.s32 $0x0, s20;
	[sflag:s22] =	ssyncset.done $0x0  }
0xa1: {  	[sflag:s22] =	ssyncadd.s32 s5;
	_ =	sdelay $0x1  }
0xa2: {  	s23 =	simm.s32 $0x1B8B  }
0xa3: {  	_ =	swait.ge [sflag:s23], $0x1  }
0xa4: {  	[sflag:s23] =	ssyncset.done $0x0  }
0xa5: {  	s25 =	simm.s32 $0x1B8E;
	s24 =	sld [smem:$0x3FFE];
	[sflag:s23] =	ssyncadd.s32 $0xFFFFFFFF  }
0xa6: {  	s26 =	simm.s32 $execute0_lowered;
	[smem:$0x3FD2] =	sst s25  }
0xa7: {  	s6 =	sshll.u32 s26, $0x1;
	_ =	strace $0x80000046;
	[dreg:$0x1] =	wrdreg $0xFFFFFFFF  }
0xa8: {  	s28 =	simm.s32 $_size_execute0_lowered;
	s4 =	sadd.s32 s4, s6;
	[dreg:$0x0] =	wrdreg $0x0  }
0xa9: {  	s6 =	sshll.u32 s28, $0x1;
	[dreg:$0x2] =	wrdreg s4  }
0xaa: {  	[dreg:$0x3] =	wrdreg s6  }
0xab: {  	[dreg:$0x4] =	wrdreg $0xC0  }
0xac: {  	_ =	task [dreg:s8], $0x5FFFF  }
0xad: {  	[dreg:$0x1] =	wrdreg $0xFFFFFFFF  }
0xae: {  	[dreg:$0x0] =	wrdreg $0x60  }
0xaf: {  	[dreg:$0x2] =	wrdreg s24  }
0xb0: {  	[dreg:$0x3] =	wrdreg s2  }
0xb1: {  	[dreg:$0x4] =	wrdreg s18  }
0xb2: {  	[dreg:$0x5] =	wrdreg $0x9  }
0xb3: {  	_ =	task.clear_ibuf [dreg:s8], $0x6FFFF;
	_ =	strace $0x90000046  }
0xb4: {  	s29 =	simm.s32 $0x9;
	_ =	strace $0x80000048  }
0xb5: {  	_ =	swait.ge [sflag:s29], $0x1  }
0xb6: {  	[sflag:s29] =	ssyncadd.s32 $0xFFFFFFFF  }
0xb7: {  	_ =	strace $0x90000048  }
0xb8: {  	_ =	sfence  }
0xb9: {  	s30 =	sld [smem:$0x0];
	_ =	sdelay $0x2  }
0xba: {  	s31 =	sshll.u32 s1, $0xD;
	s1 =	sshrl.u32 s1, $0x2  }
0xbb: {  	s3 =	sand.u32 $0x4000, s31;
	s1 =	sadd.s32 s1, s30  }
0xbc: {  	s0 =	sor.u32 s3, s0;
	s1 =	sshll.u32 s1, $0x11  }
0xbd: {  	s0 =	sor.u32 s1, s0  }
0xbe: {  	s0 =	sadd.s32 $0x8F2B, s0  }
0xbf: {  	[sflag:s0] =	ssyncadd.remote.s32 $0x1  }
0xc0: {  	_ =	sfence.sel $0xFFFF  }
0xc1: {  	[dreg:$0x0] =	wrdreg $0xFFFFFFFF;
	(pc) =	sbr.abs _section_cstart, $3  }
0xc2: {  	[dreg:$0x1] =	wrdreg $0xFFFFFFFF  }
0xc3: {  	_ =	task.clear_ibuf [dreg:s8], $0x2FFFF;
	_ =	strace $0x9FFFFFFF  }
0xc4: {  	(tm) =	ssettm $0x7FFFFFFF  }
0xc5: {  	_ =	shalt  }
tec
execute0_lowered:
.L_overlay_start_1:
0x0: {  	(tag) =	ssettag $0x1  }
0x1: {  	s1 =	srdreg.scid;
	s4 =	rddreg [dreg:$0x0]  }
0x2: {  	s0 =	stileid.u32;
	s2 =	rddreg [dreg:$0x1]  }
0x3: {  	s10 =	rddreg [dreg:$0x2];
	s12 =	simm.s32 $0x80;
	s13 =	simm.s32 $0x3400  }
0x4: {  	s14 =	simm.s32 $0x7400;
	s16 =	simm.s32 $0xB400;
	s18 =	simm.s32 $0xF400  }
0x5: {  	s19 =	simm.s32 $0x1;
	s20 =	simm.s32 $0x2;
	s21 =	simm.s32 $0x4  }
0x6: {  	s22 =	simm.s32 $0x5;
	s23 =	simm.s32 $0x6;
	s24 =	simm.s32 $0x7  }
0x7: {  	s1 =	sand.u32 $0x1, s1;
	s3 =	sshll.u32 s0, $0x1;
	s8 =	smul.u32 $0x320000, s0  }
0x8: {  	s3 =	sor.u32 s1, s3;
	s7 =	ssub.s32 $0x2, s1;
	s1 =	smul.u32 $0x190000, s1  }
0x9: {  	s25 =	simm.s32 $0x8;
	s26 =	simm.s32 $0x0;
	s5 =	smul.u32 $0x680, s3  }
0xa: {  	s6 =	smul.u32 $0x190000, s3;
	s3 =	simm.s32 $0x0;
	s9 =	sshrl.u32 s7, $0x1  }
0xb: {  	[smem:$0x7FF] =	sst s3;
	s28 =	ssub.s32 s7, s9;
	s1 =	sadd.s32 s1, s8  }
0xc: {  	_ =	strace $0x80000047;
	s4 =	sadd.s32 s5, s4;
	s6 =	sshrl.u32 s6, $0x3  }
0xd: {  	s5 =	smax.u32 s28, $0x1;
	s30 =	sor.u32 $0x8000, s1;
	s8 =	sor.u32 $0x4000, s1  }
.Ltmp0:
0xe: {  	s31 =	sor.u32 $0xC000, s1;
	s1 =	sshrl.u32 s1, $0x3;
	(pc) =	sbr.rel .LBB2_1-.Ltmp0, $4  }
0xf: {  	s29 =	sadd.s32 $0x800, s4;
	s6 =	sadd.s32 s10, s6;
	s7 =	sshrl.u32 s30, $0x3  }
0x10: {  	s8 =	sshrl.u32 s8, $0x3;
	s11 =	sshrl.u32 s31, $0x3;
	s9 =	sadd.s32 s1, s10  }
0x11: {  	[dreg:$0x4] =	wrdreg s29;
	s6 =	sadd.s32 $0x31000, s6;
	s7 =	sadd.s32 s7, s10  }
0x12: {  	s8 =	sadd.s32 s8, s10;
	s10 =	sadd.s32 s11, s10;
	s11 =	simm.s32 $0x9  }
.LBB2_4:
0x13: {  	_ =	swait.ge [sflag:s22], $0x4000  }
0x14: {  	[sflag:s22] =	ssyncset.done $0x0  }
0x15: {  	[sflag:s22] =	ssyncadd.s32 $0xFFFFC000  }
0x16: {  	_ =	swait.ge [sflag:s23], $0x4000  }
0x17: {  	[sflag:s23] =	ssyncset.done $0x0  }
0x18: {  	s26 =	sadd.s32 $0x1, s26;
	[sflag:s23] =	ssyncadd.s32 $0xFFFFC000  }
0x19: {  	p0 =	sne.s32 s26, s5;
	_ =	swait.ge [sflag:s24], $0x4000  }
.Ltmp1:
0x1a: {  	[sflag:s24] =	ssyncset.done $0x0;
	(pc) =	sbr.rel @!p0 .LBB2_5-.Ltmp1, $4  }
0x1b: {  	[sflag:s24] =	ssyncadd.s32 $0xFFFFC000  }
0x1c: {  	_ =	swait.ge [sflag:s25], $0x4000  }
0x1d: {  	[sflag:s25] =	ssyncset.done $0x0  }
0x1e: {  	[sflag:s25] =	ssyncadd.s32 $0xFFFFC000  }
.LBB2_1:
0x1f: {  	s0 =	rddreg [dreg:$0x4]  }
0x20: {  	[tilespmem:s3], [sflag:$0x9] =	stream.linear.gather [hbm4b:s0+s3], $0x3200, $0x38;
	[tilespmem:$0x13400] =	vst v63  }
0x21: {  	_ =	swait.ge [sflag:s11], $0x3200  }
0x22: {  	[sflag:s11] =	ssyncset.done $0x0  }
0x23: {  	[sflag:s11] =	ssyncadd.s32 $0xFFFFCE00  }
0x24: {  	[tilespmem:s13], [sflag:$0x1] =	stream.indirect.gather [hbm4b:s2+s12], $0x80, s3, s12, $0xb8;
	[tilespmem:$0x13400] =	vst v63  }
0x25: {  	s15 =	simm.s32 $0x100  }
0x26: {  	[tilespmem:s14], [sflag:$0x2] =	stream.indirect.gather [hbm4b:s2+s12], $0x80, s12, s12, $0xb8;
	[tilespmem:$0x13400] =	vst v63  }
0x27: {  	s17 =	simm.s32 $0x180;
	s28 =	smov.u32 s10;
	s29 =	smov.u32 s9  }
0x28: {  	[tilespmem:s16], [sflag:$0x3] =	stream.indirect.gather [hbm4b:s2+s12], $0x80, s15, s12, $0xb8;
	[tilespmem:$0x13400] =	vst v63  }
0x29: {  	s30 =	smov.u32 s8;
	s31 =	smov.u32 s7;
	s1 =	simm.s32 $0x0  }
0x2a: {  	[tilespmem:s18], [sflag:$0x4] =	stream.indirect.gather [hbm4b:s2+s12], $0x80, s17, s12, $0xb8;
	[tilespmem:$0x13400] =	vst v63  }
.LBB2_2:
0x2b: {  	_ =	swait.ge [sflag:s19], $0x4000  }
0x2c: {  	p0 =	seq.s32 s1, $0x0;
	[sflag:s19] =	ssyncset.done $0x0  }
0x2d: {  	s0 =	simm.s32 @!p0 $0x8;
	[sflag:s19] =	ssyncadd.s32 $0xFFFFC000  }
0x2e: {  	[hbm4b:s29+s3] =	stream.linear.scatter [tilespmem:s13], [sflag:$0x5], $0x4000, $0x38;
	[tilespmem:$0x13400] =	vst v63  }
0x2f: {  	_ =	swait.ge @!p0 [sflag:s0], $0x4000  }
0x30: {  	[sflag:s0] =	ssyncset.done @!p0 $0x0  }
0x31: {  	[sflag:s0] =	ssyncadd.s32 @!p0 $0xFFFFC000;
	s0 =	sshra.s32 @!p0 s1, $0x2  }
0x32: {  	s15 =	simm.s32 @!p0 $0x80;
	s17 =	simm.s32 @!p0 $0xF400;
	s0 =	sadd.s32 @!p0 $0x180, s0  }
0x33: {  	[tilespmem:s17], [sflag:$0x4] =	stream.indirect.gather @!p0 [hbm4b:s2+s15], $0x80, s0, s15, $0xb8;
	[tilespmem:$0x13400] =	vst v63  }
0x34: {  	_ =	swait.ge [sflag:s20], $0x4000  }
0x35: {  	p0 =	seq.s32 s1, $0xC000;
	[sflag:s20] =	ssyncset.done $0x0  }
0x36: {  	s0 =	simm.s32 @p0 $0x3;
	[sflag:s20] =	ssyncadd.s32 $0xFFFFC000  }
0x37: {  	[hbm4b:s30+s3] =	stream.linear.scatter [tilespmem:s14], [sflag:$0x6], $0x4000, $0x38;
	[tilespmem:$0x13400] =	vst v63  }
0x38: {  	_ =	swait.ge @p0 [sflag:s0], $0x4000  }
0x39: {  	[sflag:s0] =	ssyncset.done @p0 $0x0  }
0x3a: {  	s15 =	simm.s32 @p0 $0xB400;
	[sflag:s0] =	ssyncadd.s32 @p0 $0xFFFFC000;
	s0 =	simm.s32 @p0 $0x0  }
0x3b: {  	[hbm4b:s6+s0] =	stream.linear.scatter @p0 [tilespmem:s15], [sflag:$0x7], $0x4000, $0x38;
	[tilespmem:$0x13400] =	vst v63  }
0x3c: {  	s0 =	simm.s32 @!p0 $0x5  }
0x3d: {  	_ =	swait.ge @!p0 [sflag:s0], $0x4000  }
0x3e: {  	[sflag:s0] =	ssyncset.done @!p0 $0x0  }
0x3f: {  	[sflag:s0] =	ssyncadd.s32 @!p0 $0xFFFFC000;
	s0 =	sshra.s32 @!p0 s1, $0x2  }
0x40: {  	s17 =	simm.s32 @!p0 $0x80;
	s4 =	simm.s32 @!p0 $0x3400;
	s15 =	sadd.s32 @!p0 $0x200, s0  }
0x41: {  	[tilespmem:s4], [sflag:$0x1] =	stream.indirect.gather @!p0 [hbm4b:s2+s17], $0x80, s15, s17, $0xb8;
	[tilespmem:$0x13400] =	vst v63  }
0x42: {  	s4 =	simm.s32 @!p0 $0x3  }
0x43: {  	_ =	swait.ge @!p0 [sflag:s4], $0x4000  }
0x44: {  	[sflag:s4] =	ssyncset.done @!p0 $0x0  }
0x45: {  	s15 =	simm.s32 @!p0 $0xB400;
	[sflag:s4] =	ssyncadd.s32 @!p0 $0xFFFFC000;
	s4 =	simm.s32 @!p0 $0x0  }
0x46: {  	[hbm4b:s31+s4] =	stream.linear.scatter @!p0 [tilespmem:s15], [sflag:$0x7], $0x4000, $0x38;
	[tilespmem:$0x13400] =	vst v63  }
0x47: {  	s4 =	simm.s32 @!p0 $0x6  }
0x48: {  	_ =	swait.ge @!p0 [sflag:s4], $0x4000  }
0x49: {  	[sflag:s4] =	ssyncset.done @!p0 $0x0  }
0x4a: {  	s0 =	sadd.s32 @!p0 $0x280, s0;
	[sflag:s4] =	ssyncadd.s32 @!p0 $0xFFFFC000;
	s4 =	simm.s32 @!p0 $0x7400  }
0x4b: {  	[tilespmem:s4], [sflag:$0x2] =	stream.indirect.gather @!p0 [hbm4b:s2+s17], $0x80, s0, s17, $0xb8;
	[tilespmem:$0x13400] =	vst v63  }
.Ltmp2:
0x4c: {  	_ = 	snop;
	(pc) =	sbr.rel @p0 .LBB2_4-.Ltmp2, $4  }
0x4d: {  	_ =	swait.ge [sflag:s21], $0x4000  }
0x4e: {  	[sflag:s21] =	ssyncset.done $0x0  }
0x4f: {  	[sflag:s21] =	ssyncadd.s32 $0xFFFFC000  }
0x50: {  	[hbm4b:s28+s3] =	stream.linear.scatter [tilespmem:s18], [sflag:$0x8], $0x4000, $0x38;
	[tilespmem:$0x13400] =	vst v63  }
.Ltmp3:
0x51: {  	_ =	swait.ge [sflag:s24], $0x4000;
	(pc) =	sbr.rel .LBB2_2-.Ltmp3, $4  }
0x52: {  	s0 =	sshra.s32 s1, $0x2;
	s1 =	sadd.s32 $0x800, s1;
	s31 =	sadd.s32 $0x2000, s31  }
0x53: {  	s30 =	sadd.s32 $0x2000, s30;
	s29 =	sadd.s32 $0x2000, s29;
	[sflag:s24] =	ssyncset.done $0x0  }
0x54: {  	s28 =	sadd.s32 $0x2000, s28;
	s0 =	sadd.s32 $0x300, s0;
	[sflag:s24] =	ssyncadd.s32 $0xFFFFC000  }
0x55: {  	[tilespmem:s16], [sflag:$0x3] =	stream.indirect.gather [hbm4b:s2+s12], $0x80, s0, s12, $0xb8;
	[tilespmem:$0x13400] =	vst v63  }
.LBB2_5:
0x56: {  	_ =	sfence.sel $0x180000  }
0x57: {  	[bflag:$0x0] =	sbarrier.arrive $0xFFFF  }
0x58: {  	_ =	strace $0x90000047  }
0x59: {  	s0 =	stileid.u32;
	[bflag:$0x2] =	sbarrier.arrive $0xFFFF  }
0x5a: {  	p0 =	sne.s32 s0, $0x0;
	s0 =	rddreg [dreg:$0x3]  }
0x5b: {  	s0 =	sadd.s32 @!p0 $0x100000, s0  }
0x5c: {  	[sflag:s0] =	ssyncadd.tile.s32 @!p0 $0x1;
	_ =	shalt  }
.Lfunc_end2:
_tile_overlayer_lowered:
.L_overlay_start_2:
0x5d: {  	(tag) =	ssettag $0x2  }
0x5e: {  	s0 =	rddreg [dreg:$0x0];
	s2 =	stileid.u32  }
0x5f: {  	s1 =	rddreg [dreg:$0x1];
	p0 =	sne.s32 s2, $0x0  }
0x60: {  	s3 =	rddreg [dreg:$0x2];
	[bflag:$0x3] =	sbarrier.arrive $0xFFFF;
	s2 =	simm.s32 @!p0 $0x1C09  }
0x61: {  	[timem:s3], [sflag:s2] =	dma.local @!p0 [hbm:s0], s1  }
0x62: {  	s0 =	simm.s32 @!p0 $0x9  }
0x63: {  	_ =	swait.ge @!p0 [sflag:s0], s1  }
0x64: {  	s1 =	ssub.s32 @!p0 $0x0, s1;
	[sflag:s0] =	ssyncset.done @!p0 $0x0  }
0x65: {  	[sflag:s0] =	ssyncadd.s32 @!p0 s1  }
0x66: {  	[bflag:$0x3] =	sbarrier.arrive $0xFFFF  }
0x67: {  	_ =	shalt  }

// kernel: sparse-core-data-format-call.cloned.1.call-start
scs
called_computation_lowered:
.L_overlay_start_0:
0x0: {  	s2 =	sld [smem:$0x3FD9]  }
0x1: {  	s3 =	sld [smem:$0x3FFE];
	_ =	sdelay $0x1  }
0x2: {  	s1 =	srdreg.scid  }
0x3: {  	s0 =	sand.u32 $0x1, s1  }
0x4: {  	s18 =	sshll.u32 s0, $0xA;
	s2 =	sadd.s32 s3, s2  }
0x5: {  	s2 =	sadd.s32 s2, s18  }
0x6: {  	[smem:$0x3FC6] =	sst s2  }
0x7: {  	_ = 	snop  }
0x8: {  	s2 =	sld [smem:$0x3FD0];
	(tm) =	ssettm $0x1  }
0x9: {  	s19 =	sld [smem:$0x3FFB];
	_ =	sdelay $0x3  }
0xa: {  	_ =	strace s19  }
0xb: {  	s3 =	sld [smem:$0x3FFC];
	_ =	sdelay $0x3  }
0xc: {  	_ =	strace s3  }
0xd: {  	s3 =	sld [smem:$0x3FFD];
	_ =	sdelay $0x3  }
0xe: {  	_ =	strace s3  }
0xf: {  	_ =	strace $0x8FFFFFFF  }
0x10: {  	s20 =	sld [smem:$0x3FDB];
	_ =	sdelay $0x1  }
0x11: {  	s4 =	simm.s32 $_scs_section_size  }
0x12: {  	s5 =	simm.s32 $_size__tile_overlayer_lowered;
	s6 =	simm.s32 $_tile_overlayer_lowered  }
0x13: {  	s23 =	simm.s32 $0x1BFF;
	s22 =	sshll.u32 s6, $0x1;
	s3 =	sadd.s32 s4, s20  }
0x14: {  	s7 =	simm.s32 $0x0;
	s21 =	sshll.u32 s5, $0x1;
	s5 =	sadd.s32 s22, s3  }
0x15: {  	[timem:s7], [sflag:s23] =	dma.local [hbm:s5], s21  }
0x16: {  	_ =	swait.ge [sflag:s23], s21  }
0x17: {  	s4 =	ssub.s32 $0x0, s21;
	[sflag:s23] =	ssyncset.done $0x0  }
0x18: {  	[sflag:s23] =	ssyncadd.s32 s4;
	_ =	sdelay $0x1  }
0x19: {  	s24 =	simm.s32 $0x1B8B  }
0x1a: {  	_ =	swait.ge [sflag:s24], $0x1  }
0x1b: {  	[sflag:s24] =	ssyncset.done $0x0  }
0x1c: {  	s26 =	simm.s32 $0x1B8E;
	s25 =	sld [smem:$0x3FFE];
	[sflag:s24] =	ssyncadd.s32 $0xFFFFFFFF  }
0x1d: {  	s27 =	simm.s32 $execute0_lowered;
	[smem:$0x3FD2] =	sst s26  }
0x1e: {  	s5 =	sshll.u32 s27, $0x1;
	_ =	strace $0x80000049;
	[dreg:$0x1] =	wrdreg $0xFFFFFFFF  }
0x1f: {  	s28 =	simm.s32 $_size_execute0_lowered;
	s3 =	sadd.s32 s3, s5;
	[dreg:$0x0] =	wrdreg $0x0  }
0x20: {  	s5 =	sshll.u32 s28, $0x1;
	[dreg:$0x2] =	wrdreg s3  }
0x21: {  	[dreg:$0x3] =	wrdreg s5  }
0x22: {  	[dreg:$0x4] =	wrdreg $0xC0  }
0x23: {  	_ =	task [dreg:s7], $0x5FFFF  }
0x24: {  	[dreg:$0x1] =	wrdreg $0xFFFFFFFF  }
0x25: {  	[dreg:$0x0] =	wrdreg $0x60  }
0x26: {  	[dreg:$0x2] =	wrdreg s25  }
0x27: {  	[dreg:$0x3] =	wrdreg s2  }
0x28: {  	[dreg:$0x4] =	wrdreg $0x9  }
0x29: {  	_ =	task.clear_ibuf [dreg:s7], $0x5FFFF;
	_ =	strace $0x90000049  }
0x2a: {  	s29 =	simm.s32 $0x9;
	_ =	strace $0x8000004B  }
0x2b: {  	_ =	swait.ge [sflag:s29], $0x1  }
0x2c: {  	[sflag:s29] =	ssyncadd.s32 $0xFFFFFFFF  }
0x2d: {  	_ =	strace $0x9000004B  }
0x2e: {  	_ =	sfence  }
0x2f: {  	s30 =	sld [smem:$0x0];
	_ =	sdelay $0x2  }
0x30: {  	s31 =	sshll.u32 s1, $0xD;
	s1 =	sshrl.u32 s1, $0x2  }
0x31: {  	s3 =	sand.u32 $0x4000, s31;
	s1 =	sadd.s32 s1, s30  }
0x32: {  	s0 =	sor.u32 s3, s0;
	s1 =	sshll.u32 s1, $0x11  }
0x33: {  	s0 =	sor.u32 s1, s0  }
0x34: {  	s0 =	sadd.s32 $0x8F2B, s0  }
0x35: {  	[sflag:s0] =	ssyncadd.remote.s32 $0x1  }
0x36: {  	_ =	sfence.sel $0xFFFF  }
0x37: {  	[dreg:$0x0] =	wrdreg $0xFFFFFFFF;
	(pc) =	sbr.abs _section_cstart, $3  }
0x38: {  	[dreg:$0x1] =	wrdreg $0xFFFFFFFF  }
0x39: {  	_ =	task.clear_ibuf [dreg:s7], $0x2FFFF;
	_ =	strace $0x9FFFFFFF  }
0x3a: {  	(tm) =	ssettm $0x7FFFFFFF  }
0x3b: {  	_ =	shalt  }
tec
execute0_lowered:
.L_overlay_start_1:
0x0: {  	(tag) =	ssettag $0x1  }
0x1: {  	s0 =	srdreg.scid  }
0x2: {  	s1 =	sshll.u32 s0, $0x4  }
0x3: {  	s0 =	stileid.u32;
	s1 =	sand.u32 $0x10, s1  }
0x4: {  	s6 =	rddreg [dreg:$0x0];
	s1 =	sor.u32 s0, s1  }
0x5: {  	s4 =	simm.s32 $0x1;
	s7 =	simm.s32 $0x2;
	s2 =	sshll.u32 s1, $0x5  }
0x6: {  	s14 =	simm.s32 $0x0;
	s8 =	simm.s32 $0x1000;
	s1 =	ssub.s32 $0x1000, s2  }
0x7: {  	s9 =	simm.s32 $0x80000;
	s10 =	simm.s32 $0x0;
	s3 =	sand.u32 $0x3E0, s1  }
0x8: {  	s15 =	simm.s32 $0x0;
	s5 =	sshrl.u32 s1, $0xA;
	p0 =	sne.s32 s3, $0x0  }
.Ltmp0:
0x9: {  	s1 =	rddreg [dreg:$0x2];
	s4 =	simm.s32 @!p0 $0x0;
	(pc) =	sbr.rel .LBB1_1-.Ltmp0, $4  }
0xa: {  	s11 =	simm.s32 $0x0;
	s3 =	rddreg [dreg:$0x1];
	s5 =	sadd.s32 s4, s5  }
0xb: {  	_ =	strace $0x8000004A;
	s4 =	simm.s32 $0x1;
	s5 =	smul.u32 $0x19, s5  }
0xc: {  	s13 =	simm.s32 $0x0;
	s6 =	sadd.s32 $0x800, s6;
	[sflag:s4] =	ssyncpa.u1 $0x0  }
0xd: {  	s12 =	smov.u32 s2;
	[sflag:s7] =	ssyncpa.u1 $0x0;
	s7 =	sadd.s32 $0x1, s5  }
.LBB1_7:
0xe: {  	s16 =	sadd.s32 $0x4, s11  }
0xf: {  	s14 =	sadd.s32 $0x400, s12;
	s18 =	smov.u32 s12;
	p1 =	sgt.s32 s16, $0x63  }
0x10: {  	s18 =	smov.u32 @p1 s14  }
0x11: {  	s16 =	simm.s32 @p1 $0x0;
	p1 =	sgt.s32 s18, $0xFFF  }
0x12: {  	s18 =	smov.u32 @p1 s2;
	p1 =	sne.s32 s13, s7  }
.Ltmp1:
0x13: {  	p0 =	slt.u32 s13, $0x2;
	(pc) =	sbr.rel @!p1 .LBB1_8-.Ltmp1, $4  }
0x14: {  	s17 =	simm.s32 @!p0 $0x2  }
0x15: {  	s15 =	smov.u32 s12;
	s10 =	sadd.s32 $0x4000, s10;
	_ =	swait.ge @!p0 [sflag:s17], $0x4000  }
0x16: {  	s14 =	smov.u32 s11;
	[sflag:s17] =	ssyncset.done @!p0 $0x0;
	s11 =	smov.u32 s16  }
0x17: {  	s13 =	sadd.s32 $0x1, s13;
	[sflag:s17] =	ssyncadd.s32 @!p0 $0xFFFFC000;
	s12 =	smov.u32 s18  }
.LBB1_1:
0x18: {  	p0 =	sge.u32 s13, s5  }
0x19: {  	s16 =	sand.u32 @!p0 $0x1FFFFFF, s11  }
0x1a: {  	s17 =	smulhi.u32 @!p0 $0x2762763, s16;
	_ =	sdelay $0x1  }
0x1b: {  	s17 =	smul.u32 @!p0 $0x68, s17  }
0x1c: {  	s18 =	sxor.u32 @!p0 $0xFFFFFFFF, s13;
	s19 =	smul.u32 @!p0 $0x680, s12  }
0x1d: {  	s31 =	sadd.s32 $0xFFFFFFFF, s13;
	s18 =	sshll.u32 @!p0 s18, $0xE;
	s16 =	ssub.s32 @!p0 s16, s17  }
0x1e: {  	s17 =	sand.u32 @!p0 $0x4000, s18;
	s18 =	sadd.s32 @!p0 s6, s19;
	s16 =	sshll.u32 @!p0 s16, $0x4  }
0x1f: {  	s19 =	simm.s32 @!p0 $0x3400;
	s16 =	sadd.s32 @!p0 s16, s18;
	s18 =	simm.s32 @!p0 $0x200  }
0x20: {  	[tilespmem:s17], [sflag:$0x1] =	stream.strided.gather @!p0 [hbm4b:s16+s18], $0x4000, s19, s18, $0x38;
	[tilespmem:$0x10000] =	vst v63  }
0x21: {  	p0 =	sge.u32 s31, s5  }
.Ltmp2:
0x22: {  	_ = 	snop;
	(pc) =	sbr.rel @p0 .LBB1_7-.Ltmp2, $1  }
0x23: {  	_ =	sdelay $0x3  }
0x24: {  	s17 =	sand.u32 $0x4000, s10  }
0x25: {  	_ =	swait.ge [sflag:s4], $0x4000;
	s19 =	sshll.u32 s13, $0xE;
	s16 =	sor.u32 $0x8040, s17  }
0x26: {  	s18 =	sor.u32 $0x40, s17;
	[sflag:s4] =	ssyncset.done $0x0;
	s31 =	sand.u32 $0x4000, s19  }
0x27: {  	s19 =	simm.s32 $0x0;
	[sflag:s4] =	ssyncadd.s32 $0xFFFFC000;
	s17 =	sor.u32 $0x8000, s31  }
.LBB1_3:
0x28: {  	v0 =	vmov s18;
	_ =	sdelay $0x3  }
0x29: {  	s21 =	simm.s32 $0x0  }
0x2a: {  	v6 =	vld.idx.msk [tilespmem:v0+s21+$0x30 ss:$0x1], $0xffff  }
0x2b: {  	v7 =	vld.idx.msk [tilespmem:v0+s21+$0xFFFFFFC0 ss:$0x1], $0xffff  }
0x2c: {  	v5 =	vld.idx.msk [tilespmem:v0+s21+$0xFFFFFFD0 ss:$0x1], $0xffff  }
0x2d: {  	v4 =	vld.idx.msk [tilespmem:v0+s21+$0xFFFFFFE0 ss:$0x1], $0xffff  }
0x2e: {  	v3 =	vld.idx.msk [tilespmem:v0+s21+$0xFFFFFFF0 ss:$0x1], $0xffff  }
0x2f: {  	v1 =	vld.idx.msk [tilespmem:v0+s21+$0x0 ss:$0x1], $0xffff  }
0x30: {  	v2 =	vld.idx.msk [tilespmem:v0+s21+$0x10 ss:$0x1], $0xffff;
	[tilespmem:s16+$0x30] =	vst v6  }
0x31: {  	s20 =	simm.s32 $0x80;
	s22 =	simm.s32 $0x400;
	[tilespmem:s16+$0xFFFFFFC0] =	vst v7;
	v6 =	vld.idx.msk [tilespmem:v0+s21+$0x20 ss:$0x1], $0xffff;
	s21 =	smov.u32 s16  }
.LBB1_4:
0x32: {  	p0 =	sne.s32 s22, $0x600;
	v7 =	vld.idx.msk [tilespmem:v0+s20+$0x30 ss:$0x1], $0xffff;
	[tilespmem:s21+$0xFFFFFFD0] =	vst v5  }
0x33: {  	v8 =	vld.idx.msk [tilespmem:v0+s20+$0xFFFFFFC0 ss:$0x1], $0xffff;
	[tilespmem:s21+$0xFFFFFFE0] =	vst v4  }
0x34: {  	v5 =	vld.idx.msk [tilespmem:v0+s20+$0xFFFFFFD0 ss:$0x1], $0xffff;
	[tilespmem:s21+$0xFFFFFFF0] =	vst v3  }
.Ltmp3:
0x35: {  	v4 =	vld.idx.msk [tilespmem:v0+s20+$0xFFFFFFE0 ss:$0x1], $0xffff;
	[tilespmem:s21+$0x0] =	vst v1;
	(pc) =	sbr.rel @p0 .LBB1_4-.Ltmp3, $4  }
0x36: {  	v3 =	vld.idx.msk [tilespmem:v0+s20+$0xFFFFFFF0 ss:$0x1], $0xffff;
	[tilespmem:s21+$0x10] =	vst v2  }
0x37: {  	v1 =	vld.idx.msk [tilespmem:v0+s20+$0x0 ss:$0x1], $0xffff;
	[tilespmem:s21+$0x20] =	vst v6;
	s21 =	sadd.s32 $0x1000, s21  }
0x38: {  	v2 =	vld.idx.msk [tilespmem:v0+s20+$0x10 ss:$0x1], $0xffff;
	[tilespmem:s21+$0x30] =	vst v7  }
0x39: {  	[tilespmem:s21+$0xFFFFFFC0] =	vst v8;
	v6 =	vld.idx.msk [tilespmem:v0+s20+$0x20 ss:$0x1], $0xffff;
	s20 =	sshra.s32 s22, $0x2;
	s22 =	sadd.s32 $0x200, s22  }
0x3a: {  	_ =	sdelay $0x2  }
0x3b: {  	[tilespmem:s21+$0xFFFFFFD0] =	vst v5  }
0x3c: {  	v56 =	vld.idx.msk [tilespmem:v0+s20+$0x30 ss:$0x1], $0xffff;
	[tilespmem:s21+$0xFFFFFFE0] =	vst v4  }
0x3d: {  	v57 =	vld.idx.msk [tilespmem:v0+s20+$0xFFFFFFC0 ss:$0x1], $0xffff;
	[tilespmem:s21+$0xFFFFFFF0] =	vst v3  }
0x3e: {  	v58 =	vld.idx.msk [tilespmem:v0+s20+$0xFFFFFFD0 ss:$0x1], $0xffff;
	[tilespmem:s21+$0x0] =	vst v1  }
0x3f: {  	v59 =	vld.idx.msk [tilespmem:v0+s20+$0xFFFFFFE0 ss:$0x1], $0xffff;
	[tilespmem:s21+$0x10] =	vst v2  }
0x40: {  	v60 =	vld.idx.msk [tilespmem:v0+s20+$0xFFFFFFF0 ss:$0x1], $0xffff;
	s31 =	sadd.s32 $0x1000, s21;
	[tilespmem:s21+$0x20] =	vst v6  }
0x41: {  	v61 =	vld.idx.msk [tilespmem:v0+s20+$0x0 ss:$0x1], $0xffff;
	[tilespmem:s31+$0x30] =	vst v56  }
0x42: {  	v62 =	vld.idx.msk [tilespmem:v0+s20+$0x10 ss:$0x1], $0xffff;
	s19 =	sadd.s32 $0x1, s19;
	[tilespmem:s31+$0xFFFFFFC0] =	vst v57  }
0x43: {  	v63 =	vld.idx.msk [tilespmem:v0+s20+$0x20 ss:$0x1], $0xffff;
	p0 =	sne.s32 s19, $0x20;
	[tilespmem:s31+$0xFFFFFFD0] =	vst v58  }
.Ltmp4:
0x44: {  	[tilespmem:s31+$0xFFFFFFE0] =	vst v59;
	(pc) =	sbr.rel @p0 .LBB1_3-.Ltmp4, $4  }
0x45: {  	[tilespmem:s31+$0xFFFFFFF0] =	vst v60  }
0x46: {  	[tilespmem:s31+$0x0] =	vst v61  }
0x47: {  	[tilespmem:s31+$0x10] =	vst v62  }
0x48: {  	s16 =	sadd.s32 $0x80, s16;
	s18 =	sadd.s32 $0x200, s18;
	[tilespmem:s31+$0x20] =	vst v63  }
.Ltmp5:
0x49: {  	s15 =	sshll.u32 s15, $0x4;
	(pc) =	sbr.rel .LBB1_7-.Ltmp5, $4  }
0x4a: {  	s15 =	sand.u32 $0xFFF0, s15  }
0x4b: {  	s14 =	sshll.u32 s14, $0x10;
	s15 =	sadd.s32 s3, s15  }
0x4c: {  	s14 =	sadd.s32 s14, s15  }
0x4d: {  	[hbm4b:s14+s8] =	stream.strided.scatter [tilespmem:s17], [sflag:$0x2], $0x4000, s9, s8, $0x38;
	[tilespmem:$0x10000] =	vst v63  }
.LBB1_8:
0x4e: {  	_ =	sfence.sel $0x180000  }
0x4f: {  	s2 =	simm.s32 $0x1;
	[bflag:$0x0] =	sbarrier.arrive $0xFFFF  }
0x50: {  	s31 =	simm.s32 $0x2;
	[sflag:s2] =	ssyncpa.u1 $0x1  }
0x51: {  	[sflag:s31] =	ssyncpa.u1 $0x1  }
0x52: {  	p0 =	sne.s32 s0, $0x0;
	_ =	strace $0x9000004A  }
0x53: {  	s0 =	sadd.s32 @!p0 $0x100000, s1;
	[bflag:$0x2] =	sbarrier.arrive $0xFFFF  }
0x54: {  	[sflag:s0] =	ssyncadd.tile.s32 @!p0 $0x1;
	_ =	shalt  }
.Lfunc_end1:
_tile_overlayer_lowered:
.L_overlay_start_2:
0x55: {  	(tag) =	ssettag $0x2  }
0x56: {  	s0 =	rddreg [dreg:$0x0];
	s2 =	stileid.u32  }
0x57: {  	s1 =	rddreg [dreg:$0x1];
	p0 =	sne.s32 s2, $0x0  }
0x58: {  	s3 =	rddreg [dreg:$0x2];
	[bflag:$0x3] =	sbarrier.arrive $0xFFFF;
	s2 =	simm.s32 @!p0 $0x1C01  }
0x59: {  	[timem:s3], [sflag:s2] =	dma.local @!p0 [hbm:s0], s1  }
0x5a: {  	s0 =	simm.s32 @!p0 $0x1  }
0x5b: {  	_ =	swait.ge @!p0 [sflag:s0], s1  }
0x5c: {  	s1 =	ssub.s32 @!p0 $0x0, s1;
	[sflag:s0] =	ssyncset.done @!p0 $0x0  }
0x5d: {  	[sflag:s0] =	ssyncadd.s32 @!p0 s1  }
0x5e: {  	[bflag:$0x3] =	sbarrier.arrive $0xFFFF  }
0x5f: {  	_ =	shalt  }

</sc_bundles>
